<compile_context>
chip_gen: v7x
topology: tpu7x:2x2x1
jax: 0.10.2.dev20260603
libtpu: 0.0.44.dev20260713+nightly
codegen_flags: <defaults>
</compile_context>

<pallas_src>
import functools

import jax
import jax.numpy as jnp
from jax import lax
from jax.experimental import pallas as pl
from jax.experimental.pallas import tpu as pltpu
from jax.experimental.pallas import tpu_sc as plsc

_NC = 2
_NS = 16
_NW = _NC * _NS
_L = 16

_SPLINE_ORDER = 3
_EDGE_CHUNK = 80


def _make_deg_kernel(n_nodes, n_edges):
    epw = n_edges // _NW
    mesh = plsc.VectorSubcoreMesh(core_axis_name="c", subcore_axis_name="s")

    @functools.partial(
        pl.kernel,
        mesh=mesh,
        out_type=jax.ShapeDtypeStruct((_NW, n_nodes), jnp.float32),
        compiler_params=pltpu.CompilerParams(needs_layout_passes=False, use_tc_tiling_on_sc=False),
        scratch_types=[
            pltpu.VMEM((epw,), jnp.int32),
            pltpu.VMEM((n_nodes,), jnp.float32),
        ],
    )
    def deg_kernel(ei_hbm, out_hbm, idx_v, hist_v):
        c = lax.axis_index("c")
        s = lax.axis_index("s")
        w = c * _NS + s

        zeros16 = jnp.zeros((_L,), jnp.float32)

        def zero_body(i, carry):
            hist_v[pl.ds(i * _L, _L)] = zeros16
            return carry

        lax.fori_loop(0, n_nodes // _L, zero_body, 0)

        pltpu.sync_copy(ei_hbm.at[1, pl.ds(w * epw, epw)], idx_v)

        ones16 = jnp.ones((_L,), jnp.float32)

        def body(i, carry):
            idx = idx_v[pl.ds(i * _L, _L)]
            plsc.addupdate_scatter(hist_v, [idx], ones16)
            return carry

        lax.fori_loop(0, epw // _L, body, 0)

        pltpu.sync_copy(hist_v, out_hbm.at[w])

    return deg_kernel


_NBUF = 5


def _make_agg_kernel(n_nodes, n_edges, hid):
    ch = _EDGE_CHUNK
    nch = n_edges // _NW // ch
    assert nch % _NBUF == 0
    ngrp = nch // _NBUF
    nstage = 10
    rows_ps = n_nodes // nstage
    mesh = plsc.VectorSubcoreMesh(core_axis_name="c", subcore_axis_name="s")

    epw = n_edges // _NW

    @functools.partial(
        pl.kernel,
        mesh=mesh,
        out_type=jax.ShapeDtypeStruct((_NC, n_nodes, hid), jnp.float32),
        compiler_params=pltpu.CompilerParams(needs_layout_passes=False, use_tc_tiling_on_sc=False),
        scratch_types=[
            pltpu.VMEM((epw,), jnp.int32),
            pltpu.VMEM((epw,), jnp.int32),
            pltpu.VMEM((_NBUF, ch, hid), jnp.float32),
            pltpu.VMEM_SHARED((n_nodes, hid), jnp.float32),
        ] + [pltpu.SemaphoreType.DMA] * (2 * _NBUF),
    )
    def agg_kernel(ei_hbm, hs_hbm, out_hbm, src_v, dst_v, rows_v,
                   acc_sh, *sems):
        gsem = sems[:_NBUF]
        ssem = sems[_NBUF:]
        c = lax.axis_index("c")
        s = lax.axis_index("s")
        w = c * _NS + s

        pltpu.sync_copy(ei_hbm.at[0, pl.ds(w * epw, epw)], src_v)
        pltpu.sync_copy(ei_hbm.at[1, pl.ds(w * epw, epw)], dst_v)

        @pl.when(s < nstage)
        def _():
            pltpu.sync_copy(hs_hbm.at[pl.ds(s * rows_ps, rows_ps)],
                            acc_sh.at[pl.ds(s * rows_ps, rows_ps)])
        plsc.subcore_barrier()

        def wait_gather(b):
            pltpu.make_async_copy(hs_hbm.at[pl.ds(0, ch)], rows_v.at[b],
                                  gsem[b]).wait()

        def wait_scatter(b):
            pltpu.make_async_copy(rows_v.at[b], acc_sh.at[pl.ds(0, ch)],
                                  ssem[b]).wait()

        for b in range(_NBUF):
            pltpu.async_copy(hs_hbm.at[src_v.at[pl.ds(b * ch, ch)]],
                             rows_v.at[b], gsem[b])

        def body(t, carry):
            base = t * _NBUF
            for b in range(_NBUF):
                wait_gather(b)
                pltpu.async_copy(
                    rows_v.at[b],
                    acc_sh.at[dst_v.at[pl.ds((base + b) * ch, ch)]],
                    ssem[b], add=True)
            for b in range(_NBUF):
                jn = base + _NBUF + b

                @pl.when(jn < nch)
                def _(b=b, jn=jn):
                    wait_scatter(b)
                    pltpu.async_copy(hs_hbm.at[src_v.at[pl.ds(jn * ch, ch)]],
                                     rows_v.at[b], gsem[b])
            return carry

        lax.fori_loop(0, ngrp, body, 0)

        for b in range(_NBUF):
            wait_scatter(b)

        plsc.subcore_barrier()

        @pl.when(s < nstage)
        def _():
            pltpu.sync_copy(acc_sh.at[pl.ds(s * rows_ps, rows_ps)],
                            out_hbm.at[c, pl.ds(s * rows_ps, rows_ps)])

    return agg_kernel


def _hs_body(x_ref, w_ref, degp_ref, hs_ref, dinvb_ref):
    hid = hs_ref.shape[1]
    ones = jnp.ones((degp_ref.shape[0], hid), jnp.float32)
    degb = lax.dot_general(degp_ref[...], ones, (((0,), (0,)), ((), ())),
                           preferred_element_type=jnp.float32)
    dinvb = lax.rsqrt(degb + 1.0)
    h = lax.dot_general(x_ref[...], w_ref[...], (((1,), (1,)), ((), ())),
                        preferred_element_type=jnp.float32)
    hs_ref[...] = h * dinvb
    dinvb_ref[...] = dinvb


def _kan_apply(xT, grid_t, bw, sw_t, sc):
    g0 = grid_t[0][:, None]
    gh = grid_t[1][:, None] - g0
    t = (xT - g0) / gh
    m = jnp.floor(t)
    u = t - m
    c0 = u * u * u
    c1 = ((-3.0 * u + 3.0) * u + 3.0) * u + 1.0
    c2 = (3.0 * u - 6.0) * u * u + 4.0
    c3 = ((-u + 3.0) * u - 3.0) * u + 1.0
    scale = 1.0
    for k in range(1, _SPLINE_ORDER + 1):
        scale /= k
    nb = grid_t.shape[0] - _SPLINE_ORDER - 1
    outT = lax.dot_general(bw, jax.nn.silu(xT), (((1,), (0,)), ((), ())),
                           preferred_element_type=jnp.float32)
    for j in range(nb):
        mj = m - float(j)
        val = jnp.where(
            mj == 0.0, c0,
            jnp.where(mj == 1.0, c1,
                      jnp.where(mj == 2.0, c2,
                                jnp.where(mj == 3.0, c3, 0.0))))
        sj = sw_t[j] * (sc * scale)
        outT = outT + lax.dot_general(sj, val, (((1,), (0,)), ((), ())),
                                      preferred_element_type=jnp.float32)
    return outT


def _mlp_body(aggp_ref, hs_ref, dinvb_ref, b_ref, g1_ref, bw1_ref, sw1_ref,
              sc1_ref, g2_ref, bw2_ref, sw2_ref, sc2_ref, out_ref):
    agg = aggp_ref[0] + aggp_ref[1] - hs_ref[...]
    h1 = jnp.maximum(agg * dinvb_ref[...] + b_ref[...], 0.0)
    h1T = lax.transpose(h1, (1, 0))
    h2T = _kan_apply(h1T, g1_ref[...], bw1_ref[...], sw1_ref[...],
                     sc1_ref[...])
    h3T = _kan_apply(h2T, g2_ref[...], bw2_ref[...], sw2_ref[...],
                     sc2_ref[...])
    out_ref[...] = h3T[None]


def kernel(x, edge_index, W_gcn, b_gcn, grid1, base_w1, spline_w1, scaler1,
           grid2, base_w2, spline_w2, scaler2):
    n, in_ch = x.shape
    hid = W_gcn.shape[0]
    mid = base_w1.shape[0]
    out_ch = base_w2.shape[0]
    e = edge_index.shape[1]

    degp = _make_deg_kernel(n, e)(edge_index)

    hs, dinvb = pl.pallas_call(
        _hs_body,
        out_shape=[jax.ShapeDtypeStruct((n, hid), jnp.float32),
                   jax.ShapeDtypeStruct((n, hid), jnp.float32)],
    )(x, W_gcn, degp)

    aggp = _make_agg_kernel(n, e, hid)(edge_index, hs)

    g1_t = grid1.T
    g2_t = grid2.T
    sw1_t = jnp.transpose(spline_w1, (2, 0, 1))
    sw2_t = jnp.transpose(spline_w2, (2, 0, 1))
    b2d = b_gcn[None, :]
    nk1 = sw1_t.shape[0]
    nk2 = sw2_t.shape[0]
    ng1 = g1_t.shape[0]
    ng2 = g2_t.shape[0]

    blk = 2000
    out = pl.pallas_call(
        _mlp_body,
        grid=(n // blk,),
        in_specs=[
            pl.BlockSpec((_NC, blk, hid), lambda i: (0, i, 0)),
            pl.BlockSpec((blk, hid), lambda i: (i, 0)),
            pl.BlockSpec((blk, hid), lambda i: (i, 0)),
            pl.BlockSpec((1, hid), lambda i: (0, 0)),
            pl.BlockSpec((ng1, hid), lambda i: (0, 0)),
            pl.BlockSpec((mid, hid), lambda i: (0, 0)),
            pl.BlockSpec((nk1, mid, hid), lambda i: (0, 0, 0)),
            pl.BlockSpec((mid, hid), lambda i: (0, 0)),
            pl.BlockSpec((ng2, mid), lambda i: (0, 0)),
            pl.BlockSpec((out_ch, mid), lambda i: (0, 0)),
            pl.BlockSpec((nk2, out_ch, mid), lambda i: (0, 0, 0)),
            pl.BlockSpec((out_ch, mid), lambda i: (0, 0)),
        ],
        out_specs=pl.BlockSpec((1, out_ch, blk), lambda i: (i, 0, 0)),
        out_shape=jax.ShapeDtypeStruct((n // blk, out_ch, blk), jnp.float32),
    )(aggp, hs, dinvb, b2d, g1_t, base_w1, sw1_t, scaler1,
      g2_t, base_w2, sw2_t, scaler2)

    return out.reshape(n, out_ch)

# --- scband reference (transcript-rebuilt; emitter-appended) ---
"""Pipeline reference for scband-kan-gcn-65592740544644 (READ-ONLY COPY).

The authoritative reference and input builder live on the scoring server;
editing this copy changes nothing except your own understanding.
"""

import jax, jax.numpy as jnp
import numpy as np

N_NODES = 10000
N_EDGES = 320000
IN_CH = 128
HID = 64
OUT_CH = 1
GRID_SIZE = 5
SPLINE_ORDER = 3


def _make_grid(in_features):
    h = 2.0 / GRID_SIZE
    g = np.arange(-SPLINE_ORDER, GRID_SIZE + SPLINE_ORDER + 1, dtype=np.float32) * h - 1.0
    return jnp.asarray(np.tile(g[None, :], (in_features, 1)))


def setup_inputs(seed: int = 0):
    key = jax.random.key(seed)
    ks = jax.random.split(key, 10)
    x = jax.random.normal(ks[0], (N_NODES, IN_CH), dtype=jnp.float32)
    edge_index = jax.random.randint(ks[1], (2, N_EDGES), 0, N_NODES, dtype=jnp.int32)
    W_gcn = jax.random.normal(ks[2], (HID, IN_CH), dtype=jnp.float32) / np.sqrt(IN_CH)
    b_gcn = jnp.zeros((HID,), dtype=jnp.float32)
    grid1 = _make_grid(HID)
    base_w1 = jax.random.normal(ks[3], (HID // 2, HID), dtype=jnp.float32) / np.sqrt(HID)
    spline_w1 = jax.random.normal(ks[4], (HID // 2, HID, GRID_SIZE + SPLINE_ORDER), dtype=jnp.float32) * 0.1
    scaler1 = jax.random.normal(ks[5], (HID // 2, HID), dtype=jnp.float32) / np.sqrt(HID)
    grid2 = _make_grid(HID // 2)
    base_w2 = jax.random.normal(ks[6], (OUT_CH, HID // 2), dtype=jnp.float32) / np.sqrt(HID // 2)
    spline_w2 = jax.random.normal(ks[7], (OUT_CH, HID // 2, GRID_SIZE + SPLINE_ORDER), dtype=jnp.float32) * 0.1
    scaler2 = jax.random.normal(ks[8], (OUT_CH, HID // 2), dtype=jnp.float32) / np.sqrt(HID // 2)
    return {"x": x, "edge_index": edge_index, "W_gcn": W_gcn, "b_gcn": b_gcn,
            "grid1": grid1, "base_w1": base_w1, "spline_w1": spline_w1, "scaler1": scaler1,
            "grid2": grid2, "base_w2": base_w2, "spline_w2": spline_w2, "scaler2": scaler2}


def _gcn_conv(x, edge_index, W, b):
    n = x.shape[0]
    loop = jnp.arange(n, dtype=edge_index.dtype)
    src = jnp.concatenate([edge_index[0], loop])
    dst = jnp.concatenate([edge_index[1], loop])
    deg = jnp.zeros((n,), dtype=x.dtype).at[dst].add(1.0)
    dinv = jnp.where(deg > 0, 1.0 / jnp.sqrt(deg), 0.0)
    norm = dinv[src] * dinv[dst]
    h = x @ W.T
    msg = h[src] * norm[:, None]
    out = jnp.zeros((n, h.shape[1]), dtype=x.dtype).at[dst].add(msg)
    return out + b


def _b_splines(x, grid):
    xg = x[:, :, None]
    bases = ((xg >= grid[:, :-1]) & (xg < grid[:, 1:])).astype(x.dtype)
    for k in range(1, SPLINE_ORDER + 1):
        left = (xg - grid[:, : -(k + 1)]) / (grid[:, k:-1] - grid[:, : -(k + 1)]) * bases[:, :, :-1]
        right = (grid[:, k + 1:] - xg) / (grid[:, k + 1:] - grid[:, 1:-k]) * bases[:, :, 1:]
        bases = left + right
    return bases


def _kan_linear(x, grid, base_w, spline_w, spline_scaler):
    base_out = jax.nn.silu(x) @ base_w.T
    sb = _b_splines(x, grid)
    scaled = spline_w * spline_scaler[:, :, None]
    spline_out = sb.reshape(x.shape[0], -1) @ scaled.reshape(scaled.shape[0], -1).T
    return base_out + spline_out


def reference(x, edge_index, W_gcn, b_gcn, grid1, base_w1, spline_w1, scaler1, grid2, base_w2, spline_w2, scaler2):
    h = _gcn_conv(x, edge_index, W_gcn, b_gcn)
    h = jax.nn.relu(h)
    h = _kan_linear(h, grid1, base_w1, spline_w1, scaler1)
    h = _kan_linear(h, grid2, base_w2, spline_w2, scaler2)
    return h

if __name__ == "__main__":
    import jax
    _d = setup_inputs()
    print(jax.jit(kernel)(*tuple(_d.values())))

</pallas_src>

<mosaic_0001>
#map = affine_map<(d0, d1) -> (0, 0)>
#map1 = affine_map<(d0, d1) -> (0, 0, 0)>
module attributes {stable_mosaic.version = 14 : i64} {
  func.func @agg_kernel(%arg0: i32, %arg1: i32, %arg2: memref<2x320000xi32, #tpu.memory_space<hbm>>, %arg3: memref<10000x64xf32, #tpu.memory_space<hbm>>, %arg4: memref<2x10000x64xf32, #tpu.memory_space<hbm>>, %arg5: memref<10000xi32, #tpu.memory_space<vmem>>, %arg6: memref<10000xi32, #tpu.memory_space<vmem>>, %arg7: memref<5x80x64xf32, #tpu.memory_space<vmem>>, %arg8: memref<10000x64xf32, #tpu.memory_space<vmem_shared>>, %arg9: memref<!tpu.dma_semaphore, #tpu.memory_space<semaphore_mem>>, %arg10: memref<!tpu.dma_semaphore, #tpu.memory_space<semaphore_mem>>, %arg11: memref<!tpu.dma_semaphore, #tpu.memory_space<semaphore_mem>>, %arg12: memref<!tpu.dma_semaphore, #tpu.memory_space<semaphore_mem>>, %arg13: memref<!tpu.dma_semaphore, #tpu.memory_space<semaphore_mem>>, %arg14: memref<!tpu.dma_semaphore, #tpu.memory_space<semaphore_mem>>, %arg15: memref<!tpu.dma_semaphore, #tpu.memory_space<semaphore_mem>>, %arg16: memref<!tpu.dma_semaphore, #tpu.memory_space<semaphore_mem>>, %arg17: memref<!tpu.dma_semaphore, #tpu.memory_space<semaphore_mem>>, %arg18: memref<!tpu.dma_semaphore, #tpu.memory_space<semaphore_mem>>) attributes {dimension_semantics = [#tpu.dimension_semantics<core_parallel>, #tpu.dimension_semantics<subcore_parallel>], iteration_bounds = array<i64: 2, 16>, scalar_prefetch = 0 : i64, scratch_operands = 14 : i64, tpu.core_type = #tpu.core_type<sc_vector_subcore>, window_params = [{transform_indices = #map}, {transform_indices = #map}, {transform_indices = #map1}]} {
    %mul3A = arith.constant 16 : i32
    %mul3A_0 = arith.muli %arg0, %mul3A : i32
    %add3A = arith.addi %mul3A_0, %arg1 : i32
    %mul3A_1 = arith.constant 10000 : i32
    %mul3A_2 = arith.muli %add3A, %mul3A_1 : i32
    %run_scoped3A = arith.constant 0 : i32
    "tpu.region"() ({
      %run_scoped3A_142 = tpu.sem_alloc : memref<!tpu.dma_semaphore, #tpu.memory_space<semaphore_mem>>
      %dma_start3A_143 = tpu.memref_slice %arg2[%run_scoped3A, %mul3A_2] : memref<2x320000xi32, #tpu.memory_space<hbm>> -> memref<1x10000xi32, #tpu.memory_space<hbm>>
      %dma_start3A_144 = tpu.memref_squeeze %dma_start3A_143 : memref<1x10000xi32, #tpu.memory_space<hbm>> -> memref<10000xi32, #tpu.memory_space<hbm>>
      %dma_start3A_145 = tpu.memref_slice %arg2[%run_scoped3A, %mul3A_2] : memref<2x320000xi32, #tpu.memory_space<hbm>> -> memref<1x10000xi32, #tpu.memory_space<hbm>>
      %dma_start3A_146 = tpu.memref_squeeze %dma_start3A_145 : memref<1x10000xi32, #tpu.memory_space<hbm>> -> memref<10000xi32, #tpu.memory_space<hbm>>
      tpu.enqueue_dma source(%dma_start3A_146 : memref<10000xi32, #tpu.memory_space<hbm>>) target(%arg5 : memref<10000xi32, #tpu.memory_space<vmem>>) target_semaphore(%run_scoped3A_142 : memref<!tpu.dma_semaphore, #tpu.memory_space<semaphore_mem>>)
      %dma_wait3A_147 = tpu.memref_slice %arg2[%run_scoped3A, %mul3A_2] : memref<2x320000xi32, #tpu.memory_space<hbm>> -> memref<1x10000xi32, #tpu.memory_space<hbm>>
      %dma_wait3A_148 = tpu.memref_squeeze %dma_wait3A_147 : memref<1x10000xi32, #tpu.memory_space<hbm>> -> memref<10000xi32, #tpu.memory_space<hbm>>
      %dma_wait3A_149 = tpu.memref_slice %arg2[%run_scoped3A, %mul3A_2] : memref<2x320000xi32, #tpu.memory_space<hbm>> -> memref<1x10000xi32, #tpu.memory_space<hbm>>
      %dma_wait3A_150 = tpu.memref_squeeze %dma_wait3A_149 : memref<1x10000xi32, #tpu.memory_space<hbm>> -> memref<10000xi32, #tpu.memory_space<hbm>>
      tpu.wait_dma2 semaphore(%run_scoped3A_142 : memref<!tpu.dma_semaphore, #tpu.memory_space<semaphore_mem>>) src(%dma_wait3A_150 : memref<10000xi32, #tpu.memory_space<hbm>>) dst(%arg5 : memref<10000xi32, #tpu.memory_space<vmem>>)
      tpu.yield
    }) : () -> ()
    %mul3A_3 = arith.constant 10000 : i32
    %mul3A_4 = arith.muli %add3A, %mul3A_3 : i32
    %run_scoped3A_5 = arith.constant 1 : i32
    "tpu.region"() ({
      %run_scoped3A_142 = tpu.sem_alloc : memref<!tpu.dma_semaphore, #tpu.memory_space<semaphore_mem>>
      %dma_start3A_143 = tpu.memref_slice %arg2[%run_scoped3A_5, %mul3A_4] : memref<2x320000xi32, #tpu.memory_space<hbm>> -> memref<1x10000xi32, #tpu.memory_space<hbm>>
      %dma_start3A_144 = tpu.memref_squeeze %dma_start3A_143 : memref<1x10000xi32, #tpu.memory_space<hbm>> -> memref<10000xi32, #tpu.memory_space<hbm>>
      %dma_start3A_145 = tpu.memref_slice %arg2[%run_scoped3A_5, %mul3A_4] : memref<2x320000xi32, #tpu.memory_space<hbm>> -> memref<1x10000xi32, #tpu.memory_space<hbm>>
      %dma_start3A_146 = tpu.memref_squeeze %dma_start3A_145 : memref<1x10000xi32, #tpu.memory_space<hbm>> -> memref<10000xi32, #tpu.memory_space<hbm>>
      tpu.enqueue_dma source(%dma_start3A_146 : memref<10000xi32, #tpu.memory_space<hbm>>) target(%arg6 : memref<10000xi32, #tpu.memory_space<vmem>>) target_semaphore(%run_scoped3A_142 : memref<!tpu.dma_semaphore, #tpu.memory_space<semaphore_mem>>)
      %dma_wait3A_147 = tpu.memref_slice %arg2[%run_scoped3A_5, %mul3A_4] : memref<2x320000xi32, #tpu.memory_space<hbm>> -> memref<1x10000xi32, #tpu.memory_space<hbm>>
      %dma_wait3A_148 = tpu.memref_squeeze %dma_wait3A_147 : memref<1x10000xi32, #tpu.memory_space<hbm>> -> memref<10000xi32, #tpu.memory_space<hbm>>
      %dma_wait3A_149 = tpu.memref_slice %arg2[%run_scoped3A_5, %mul3A_4] : memref<2x320000xi32, #tpu.memory_space<hbm>> -> memref<1x10000xi32, #tpu.memory_space<hbm>>
      %dma_wait3A_150 = tpu.memref_squeeze %dma_wait3A_149 : memref<1x10000xi32, #tpu.memory_space<hbm>> -> memref<10000xi32, #tpu.memory_space<hbm>>
      tpu.wait_dma2 semaphore(%run_scoped3A_142 : memref<!tpu.dma_semaphore, #tpu.memory_space<semaphore_mem>>) src(%dma_wait3A_150 : memref<10000xi32, #tpu.memory_space<hbm>>) dst(%arg6 : memref<10000xi32, #tpu.memory_space<vmem>>)
      tpu.yield
    }) : () -> ()
    %lt3A = arith.constant 10 : i32
    %lt3A_6 = arith.cmpi slt, %arg1, %lt3A : i32
    %convert_element_type3A = arith.extui %lt3A_6 : i1 to i32
    %cond3A = arith.constant 0 : i32
    %cond3A_7 = arith.cmpi ne, %convert_element_type3A, %cond3A : i32
    scf.if %cond3A_7 {
      %mul3A_142 = arith.constant 1000 : i32
      %mul3A_143 = arith.muli %arg1, %mul3A_142 : i32
      %mul3A_144 = arith.constant 1000 : i32
      %mul3A_145 = arith.muli %arg1, %mul3A_144 : i32
      "tpu.region"() ({
        %run_scoped3A_146 = tpu.sem_alloc : memref<!tpu.dma_semaphore, #tpu.memory_space<semaphore_mem>>
        %dma_start3A_147 = arith.constant 0 : i32
        %dma_start3A_148 = tpu.memref_slice %arg8[%mul3A_145, %dma_start3A_147] : memref<10000x64xf32, #tpu.memory_space<vmem_shared>> -> memref<1000x64xf32, #tpu.memory_space<vmem_shared>>
        %dma_start3A_149 = arith.constant 0 : i32
        %dma_start3A_150 = tpu.memref_slice %arg3[%mul3A_143, %dma_start3A_149] : memref<10000x64xf32, #tpu.memory_space<hbm>> -> memref<1000x64xf32, #tpu.memory_space<hbm>>
        tpu.enqueue_dma source(%dma_start3A_150 : memref<1000x64xf32, #tpu.memory_space<hbm>>) target(%dma_start3A_148 : memref<1000x64xf32, #tpu.memory_space<vmem_shared>>) target_semaphore(%run_scoped3A_146 : memref<!tpu.dma_semaphore, #tpu.memory_space<semaphore_mem>>)
        %dma_wait3A_151 = arith.constant 0 : i32
        %dma_wait3A_152 = tpu.memref_slice %arg8[%mul3A_145, %dma_wait3A_151] : memref<10000x64xf32, #tpu.memory_space<vmem_shared>> -> memref<1000x64xf32, #tpu.memory_space<vmem_shared>>
        %dma_wait3A_153 = arith.constant 0 : i32
        %dma_wait3A_154 = tpu.memref_slice %arg3[%mul3A_143, %dma_wait3A_153] : memref<10000x64xf32, #tpu.memory_space<hbm>> -> memref<1000x64xf32, #tpu.memory_space<hbm>>
        tpu.wait_dma2 semaphore(%run_scoped3A_146 : memref<!tpu.dma_semaphore, #tpu.memory_space<semaphore_mem>>) src(%dma_wait3A_154 : memref<1000x64xf32, #tpu.memory_space<hbm>>) dst(%dma_wait3A_152 : memref<1000x64xf32, #tpu.memory_space<vmem_shared>>)
        tpu.yield
      }) : () -> ()
    } else {
    }
    %barrier3A = arith.constant 0 : index
    tpu.barrier barrier_id(%barrier3A)
    %dma_start3A = arith.constant 0 : i32
    %dma_start3A_8 = arith.constant 0 : i32
    %dma_start3A_9 = arith.constant 0 : i32
    %dma_start3A_10 = tpu.memref_slice %arg7[%dma_start3A, %dma_start3A_8, %dma_start3A_9] : memref<5x80x64xf32, #tpu.memory_space<vmem>> -> memref<1x80x64xf32, #tpu.memory_space<vmem>>
    %dma_start3A_11 = tpu.memref_squeeze %dma_start3A_10 : memref<1x80x64xf32, #tpu.memory_space<vmem>> -> memref<80x64xf32, #tpu.memory_space<vmem>>
    %dma_start3A_12 = arith.constant 0 : i32
    %dma_start3A_13 = tpu.memref_slice %arg5[%dma_start3A_12] : memref<10000xi32, #tpu.memory_space<vmem>> -> memref<80xi32, #tpu.memory_space<vmem>>
    %dma_start3A_14 = arith.constant 0 : i32
    %dma_start3A_15 = arith.constant 0 : i32
    %dma_start3A_16 = tpu.memref_slice %arg3[%dma_start3A_14, %dma_start3A_15] : memref<10000x64xf32, #tpu.memory_space<hbm>> -> memref<10000x64xf32, #tpu.memory_space<hbm>>
    tpu.enqueue_indirect_dma source(%dma_start3A_16 : memref<10000x64xf32, #tpu.memory_space<hbm>>) target(%dma_start3A_11 : memref<80x64xf32, #tpu.memory_space<vmem>>) offsets(%dma_start3A_13 : memref<80xi32, #tpu.memory_space<vmem>>) semaphore(%arg9 : memref<!tpu.dma_semaphore, #tpu.memory_space<semaphore_mem>>)
    %dma_start3A_17 = arith.constant 1 : i32
    %dma_start3A_18 = arith.constant 0 : i32
    %dma_start3A_19 = arith.constant 0 : i32
    %dma_start3A_20 = tpu.memref_slice %arg7[%dma_start3A_17, %dma_start3A_18, %dma_start3A_19] : memref<5x80x64xf32, #tpu.memory_space<vmem>> -> memref<1x80x64xf32, #tpu.memory_space<vmem>>
    %dma_start3A_21 = tpu.memref_squeeze %dma_start3A_20 : memref<1x80x64xf32, #tpu.memory_space<vmem>> -> memref<80x64xf32, #tpu.memory_space<vmem>>
    %dma_start3A_22 = arith.constant 80 : i32
    %dma_start3A_23 = tpu.memref_slice %arg5[%dma_start3A_22] : memref<10000xi32, #tpu.memory_space<vmem>> -> memref<80xi32, #tpu.memory_space<vmem>>
    %dma_start3A_24 = arith.constant 0 : i32
    %dma_start3A_25 = arith.constant 0 : i32
    %dma_start3A_26 = tpu.memref_slice %arg3[%dma_start3A_24, %dma_start3A_25] : memref<10000x64xf32, #tpu.memory_space<hbm>> -> memref<10000x64xf32, #tpu.memory_space<hbm>>
    tpu.enqueue_indirect_dma source(%dma_start3A_26 : memref<10000x64xf32, #tpu.memory_space<hbm>>) target(%dma_start3A_21 : memref<80x64xf32, #tpu.memory_space<vmem>>) offsets(%dma_start3A_23 : memref<80xi32, #tpu.memory_space<vmem>>) semaphore(%arg10 : memref<!tpu.dma_semaphore, #tpu.memory_space<semaphore_mem>>)
    %dma_start3A_27 = arith.constant 2 : i32
    %dma_start3A_28 = arith.constant 0 : i32
    %dma_start3A_29 = arith.constant 0 : i32
    %dma_start3A_30 = tpu.memref_slice %arg7[%dma_start3A_27, %dma_start3A_28, %dma_start3A_29] : memref<5x80x64xf32, #tpu.memory_space<vmem>> -> memref<1x80x64xf32, #tpu.memory_space<vmem>>
    %dma_start3A_31 = tpu.memref_squeeze %dma_start3A_30 : memref<1x80x64xf32, #tpu.memory_space<vmem>> -> memref<80x64xf32, #tpu.memory_space<vmem>>
    %dma_start3A_32 = arith.constant 160 : i32
    %dma_start3A_33 = tpu.memref_slice %arg5[%dma_start3A_32] : memref<10000xi32, #tpu.memory_space<vmem>> -> memref<80xi32, #tpu.memory_space<vmem>>
    %dma_start3A_34 = arith.constant 0 : i32
    %dma_start3A_35 = arith.constant 0 : i32
    %dma_start3A_36 = tpu.memref_slice %arg3[%dma_start3A_34, %dma_start3A_35] : memref<10000x64xf32, #tpu.memory_space<hbm>> -> memref<10000x64xf32, #tpu.memory_space<hbm>>
    tpu.enqueue_indirect_dma source(%dma_start3A_36 : memref<10000x64xf32, #tpu.memory_space<hbm>>) target(%dma_start3A_31 : memref<80x64xf32, #tpu.memory_space<vmem>>) offsets(%dma_start3A_33 : memref<80xi32, #tpu.memory_space<vmem>>) semaphore(%arg11 : memref<!tpu.dma_semaphore, #tpu.memory_space<semaphore_mem>>)
    %dma_start3A_37 = arith.constant 3 : i32
    %dma_start3A_38 = arith.constant 0 : i32
    %dma_start3A_39 = arith.constant 0 : i32
    %dma_start3A_40 = tpu.memref_slice %arg7[%dma_start3A_37, %dma_start3A_38, %dma_start3A_39] : memref<5x80x64xf32, #tpu.memory_space<vmem>> -> memref<1x80x64xf32, #tpu.memory_space<vmem>>
    %dma_start3A_41 = tpu.memref_squeeze %dma_start3A_40 : memref<1x80x64xf32, #tpu.memory_space<vmem>> -> memref<80x64xf32, #tpu.memory_space<vmem>>
    %dma_start3A_42 = arith.constant 240 : i32
    %dma_start3A_43 = tpu.memref_slice %arg5[%dma_start3A_42] : memref<10000xi32, #tpu.memory_space<vmem>> -> memref<80xi32, #tpu.memory_space<vmem>>
    %dma_start3A_44 = arith.constant 0 : i32
    %dma_start3A_45 = arith.constant 0 : i32
    %dma_start3A_46 = tpu.memref_slice %arg3[%dma_start3A_44, %dma_start3A_45] : memref<10000x64xf32, #tpu.memory_space<hbm>> -> memref<10000x64xf32, #tpu.memory_space<hbm>>
    tpu.enqueue_indirect_dma source(%dma_start3A_46 : memref<10000x64xf32, #tpu.memory_space<hbm>>) target(%dma_start3A_41 : memref<80x64xf32, #tpu.memory_space<vmem>>) offsets(%dma_start3A_43 : memref<80xi32, #tpu.memory_space<vmem>>) semaphore(%arg12 : memref<!tpu.dma_semaphore, #tpu.memory_space<semaphore_mem>>)
    %dma_start3A_47 = arith.constant 4 : i32
    %dma_start3A_48 = arith.constant 0 : i32
    %dma_start3A_49 = arith.constant 0 : i32
    %dma_start3A_50 = tpu.memref_slice %arg7[%dma_start3A_47, %dma_start3A_48, %dma_start3A_49] : memref<5x80x64xf32, #tpu.memory_space<vmem>> -> memref<1x80x64xf32, #tpu.memory_space<vmem>>
    %dma_start3A_51 = tpu.memref_squeeze %dma_start3A_50 : memref<1x80x64xf32, #tpu.memory_space<vmem>> -> memref<80x64xf32, #tpu.memory_space<vmem>>
    %dma_start3A_52 = arith.constant 320 : i32
    %dma_start3A_53 = tpu.memref_slice %arg5[%dma_start3A_52] : memref<10000xi32, #tpu.memory_space<vmem>> -> memref<80xi32, #tpu.memory_space<vmem>>
    %dma_start3A_54 = arith.constant 0 : i32
    %dma_start3A_55 = arith.constant 0 : i32
    %dma_start3A_56 = tpu.memref_slice %arg3[%dma_start3A_54, %dma_start3A_55] : memref<10000x64xf32, #tpu.memory_space<hbm>> -> memref<10000x64xf32, #tpu.memory_space<hbm>>
    tpu.enqueue_indirect_dma source(%dma_start3A_56 : memref<10000x64xf32, #tpu.memory_space<hbm>>) target(%dma_start3A_51 : memref<80x64xf32, #tpu.memory_space<vmem>>) offsets(%dma_start3A_53 : memref<80xi32, #tpu.memory_space<vmem>>) semaphore(%arg13 : memref<!tpu.dma_semaphore, #tpu.memory_space<semaphore_mem>>)
    %scan3A = arith.constant 0 : i32
    %scan3A_57 = arith.constant 0 : i32
    %scan3A_58 = arith.constant 25 : i32
    %scan3A_59 = arith.addi %scan3A_57, %scan3A_58 : i32
    %scan3A_60 = arith.constant 1 : i32
    scf.for %scan3A_142 = %scan3A_57 to %scan3A_59 step %scan3A_60  : i32 {
      %mul3A_143 = arith.constant 5 : i32
      %mul3A_144 = arith.muli %scan3A_142, %mul3A_143 : i32
      %dma_wait3A_145 = arith.constant 0 : i32
      %dma_wait3A_146 = arith.constant 0 : i32
      %dma_wait3A_147 = arith.constant 0 : i32
      %dma_wait3A_148 = tpu.memref_slice %arg7[%dma_wait3A_145, %dma_wait3A_146, %dma_wait3A_147] : memref<5x80x64xf32, #tpu.memory_space<vmem>> -> memref<1x80x64xf32, #tpu.memory_space<vmem>>
      %dma_wait3A_149 = tpu.memref_squeeze %dma_wait3A_148 : memref<1x80x64xf32, #tpu.memory_space<vmem>> -> memref<80x64xf32, #tpu.memory_space<vmem>>
      %dma_wait3A_150 = arith.constant 0 : i32
      %dma_wait3A_151 = arith.constant 0 : i32
      %dma_wait3A_152 = tpu.memref_slice %arg3[%dma_wait3A_150, %dma_wait3A_151] : memref<10000x64xf32, #tpu.memory_space<hbm>> -> memref<80x64xf32, #tpu.memory_space<hbm>>
      %dma_wait3A_153 = arith.constant 0 : i32
      %dma_wait3A_154 = arith.constant 0 : i32
      %dma_wait3A_155 = tpu.memref_slice %arg7[%dma_wait3A_145, %dma_wait3A_153, %dma_wait3A_154] : memref<5x80x64xf32, #tpu.memory_space<vmem>> -> memref<1x80x64xf32, #tpu.memory_space<vmem>>
      %dma_wait3A_156 = tpu.memref_squeeze %dma_wait3A_155 : memref<1x80x64xf32, #tpu.memory_space<vmem>> -> memref<80x64xf32, #tpu.memory_space<vmem>>
      %dma_wait3A_157 = arith.constant 0 : i32
      %dma_wait3A_158 = arith.constant 0 : i32
      %dma_wait3A_159 = tpu.memref_slice %arg3[%dma_wait3A_157, %dma_wait3A_158] : memref<10000x64xf32, #tpu.memory_space<hbm>> -> memref<80x64xf32, #tpu.memory_space<hbm>>
      tpu.wait_dma2 semaphore(%arg9 : memref<!tpu.dma_semaphore, #tpu.memory_space<semaphore_mem>>) src(%dma_wait3A_159 : memref<80x64xf32, #tpu.memory_space<hbm>>) dst(%dma_wait3A_156 : memref<80x64xf32, #tpu.memory_space<vmem>>)
      %add3A_160 = arith.constant 0 : i32
      %add3A_161 = arith.addi %mul3A_144, %add3A_160 : i32
      %mul3A_162 = arith.constant 80 : i32
      %mul3A_163 = arith.muli %add3A_161, %mul3A_162 : i32
      %dma_start3A_164 = arith.constant 0 : i32
      %dma_start3A_165 = arith.constant 0 : i32
      %dma_start3A_166 = arith.constant 0 : i32
      %dma_start3A_167 = tpu.memref_slice %arg7[%dma_start3A_164, %dma_start3A_165, %dma_start3A_166] : memref<5x80x64xf32, #tpu.memory_space<vmem>> -> memref<1x80x64xf32, #tpu.memory_space<vmem>>
      %dma_start3A_168 = tpu.memref_squeeze %dma_start3A_167 : memref<1x80x64xf32, #tpu.memory_space<vmem>> -> memref<80x64xf32, #tpu.memory_space<vmem>>
      %dma_start3A_169 = tpu.memref_slice %arg6[%mul3A_163] : memref<10000xi32, #tpu.memory_space<vmem>> -> memref<80xi32, #tpu.memory_space<vmem>>
      %dma_start3A_170 = arith.constant 0 : i32
      %dma_start3A_171 = arith.constant 0 : i32
      %dma_start3A_172 = tpu.memref_slice %arg8[%dma_start3A_170, %dma_start3A_171] : memref<10000x64xf32, #tpu.memory_space<vmem_shared>> -> memref<10000x64xf32, #tpu.memory_space<vmem_shared>>
      tpu.enqueue_indirect_dma source(%dma_start3A_168 : memref<80x64xf32, #tpu.memory_space<vmem>>) target(%dma_start3A_172 : memref<10000x64xf32, #tpu.memory_space<vmem_shared>>) offsets(%dma_start3A_169 : memref<80xi32, #tpu.memory_space<vmem>>) semaphore(%arg14 : memref<!tpu.dma_semaphore, #tpu.memory_space<semaphore_mem>>) {add = true}
      %dma_wait3A_173 = arith.constant 1 : i32
      %dma_wait3A_174 = arith.constant 0 : i32
      %dma_wait3A_175 = arith.constant 0 : i32
      %dma_wait3A_176 = tpu.memref_slice %arg7[%dma_wait3A_173, %dma_wait3A_174, %dma_wait3A_175] : memref<5x80x64xf32, #tpu.memory_space<vmem>> -> memref<1x80x64xf32, #tpu.memory_space<vmem>>
      %dma_wait3A_177 = tpu.memref_squeeze %dma_wait3A_176 : memref<1x80x64xf32, #tpu.memory_space<vmem>> -> memref<80x64xf32, #tpu.memory_space<vmem>>
      %dma_wait3A_178 = arith.constant 0 : i32
      %dma_wait3A_179 = arith.constant 0 : i32
      %dma_wait3A_180 = tpu.memref_slice %arg3[%dma_wait3A_178, %dma_wait3A_179] : memref<10000x64xf32, #tpu.memory_space<hbm>> -> memref<80x64xf32, #tpu.memory_space<hbm>>
      %dma_wait3A_181 = arith.constant 0 : i32
      %dma_wait3A_182 = arith.constant 0 : i32
      %dma_wait3A_183 = tpu.memref_slice %arg7[%dma_wait3A_173, %dma_wait3A_181, %dma_wait3A_182] : memref<5x80x64xf32, #tpu.memory_space<vmem>> -> memref<1x80x64xf32, #tpu.memory_space<vmem>>
      %dma_wait3A_184 = tpu.memref_squeeze %dma_wait3A_183 : memref<1x80x64xf32, #tpu.memory_space<vmem>> -> memref<80x64xf32, #tpu.memory_space<vmem>>
      %dma_wait3A_185 = arith.constant 0 : i32
      %dma_wait3A_186 = arith.constant 0 : i32
      %dma_wait3A_187 = tpu.memref_slice %arg3[%dma_wait3A_185, %dma_wait3A_186] : memref<10000x64xf32, #tpu.memory_space<hbm>> -> memref<80x64xf32, #tpu.memory_space<hbm>>
      tpu.wait_dma2 semaphore(%arg10 : memref<!tpu.dma_semaphore, #tpu.memory_space<semaphore_mem>>) src(%dma_wait3A_187 : memref<80x64xf32, #tpu.memory_space<hbm>>) dst(%dma_wait3A_184 : memref<80x64xf32, #tpu.memory_space<vmem>>)
      %add3A_188 = arith.constant 1 : i32
      %add3A_189 = arith.addi %mul3A_144, %add3A_188 : i32
      %mul3A_190 = arith.constant 80 : i32
      %mul3A_191 = arith.muli %add3A_189, %mul3A_190 : i32
      %dma_start3A_192 = arith.constant 1 : i32
      %dma_start3A_193 = arith.constant 0 : i32
      %dma_start3A_194 = arith.constant 0 : i32
      %dma_start3A_195 = tpu.memref_slice %arg7[%dma_start3A_192, %dma_start3A_193, %dma_start3A_194] : memref<5x80x64xf32, #tpu.memory_space<vmem>> -> memref<1x80x64xf32, #tpu.memory_space<vmem>>
      %dma_start3A_196 = tpu.memref_squeeze %dma_start3A_195 : memref<1x80x64xf32, #tpu.memory_space<vmem>> -> memref<80x64xf32, #tpu.memory_space<vmem>>
      %dma_start3A_197 = tpu.memref_slice %arg6[%mul3A_191] : memref<10000xi32, #tpu.memory_space<vmem>> -> memref<80xi32, #tpu.memory_space<vmem>>
      %dma_start3A_198 = arith.constant 0 : i32
      %dma_start3A_199 = arith.constant 0 : i32
      %dma_start3A_200 = tpu.memref_slice %arg8[%dma_start3A_198, %dma_start3A_199] : memref<10000x64xf32, #tpu.memory_space<vmem_shared>> -> memref<10000x64xf32, #tpu.memory_space<vmem_shared>>
      tpu.enqueue_indirect_dma source(%dma_start3A_196 : memref<80x64xf32, #tpu.memory_space<vmem>>) target(%dma_start3A_200 : memref<10000x64xf32, #tpu.memory_space<vmem_shared>>) offsets(%dma_start3A_197 : memref<80xi32, #tpu.memory_space<vmem>>) semaphore(%arg15 : memref<!tpu.dma_semaphore, #tpu.memory_space<semaphore_mem>>) {add = true}
      %dma_wait3A_201 = arith.constant 2 : i32
      %dma_wait3A_202 = arith.constant 0 : i32
      %dma_wait3A_203 = arith.constant 0 : i32
      %dma_wait3A_204 = tpu.memref_slice %arg7[%dma_wait3A_201, %dma_wait3A_202, %dma_wait3A_203] : memref<5x80x64xf32, #tpu.memory_space<vmem>> -> memref<1x80x64xf32, #tpu.memory_space<vmem>>
      %dma_wait3A_205 = tpu.memref_squeeze %dma_wait3A_204 : memref<1x80x64xf32, #tpu.memory_space<vmem>> -> memref<80x64xf32, #tpu.memory_space<vmem>>
      %dma_wait3A_206 = arith.constant 0 : i32
      %dma_wait3A_207 = arith.constant 0 : i32
      %dma_wait3A_208 = tpu.memref_slice %arg3[%dma_wait3A_206, %dma_wait3A_207] : memref<10000x64xf32, #tpu.memory_space<hbm>> -> memref<80x64xf32, #tpu.memory_space<hbm>>
      %dma_wait3A_209 = arith.constant 0 : i32
      %dma_wait3A_210 = arith.constant 0 : i32
      %dma_wait3A_211 = tpu.memref_slice %arg7[%dma_wait3A_201, %dma_wait3A_209, %dma_wait3A_210] : memref<5x80x64xf32, #tpu.memory_space<vmem>> -> memref<1x80x64xf32, #tpu.memory_space<vmem>>
      %dma_wait3A_212 = tpu.memref_squeeze %dma_wait3A_211 : memref<1x80x64xf32, #tpu.memory_space<vmem>> -> memref<80x64xf32, #tpu.memory_space<vmem>>
      %dma_wait3A_213 = arith.constant 0 : i32
      %dma_wait3A_214 = arith.constant 0 : i32
      %dma_wait3A_215 = tpu.memref_slice %arg3[%dma_wait3A_213, %dma_wait3A_214] : memref<10000x64xf32, #tpu.memory_space<hbm>> -> memref<80x64xf32, #tpu.memory_space<hbm>>
      tpu.wait_dma2 semaphore(%arg11 : memref<!tpu.dma_semaphore, #tpu.memory_space<semaphore_mem>>) src(%dma_wait3A_215 : memref<80x64xf32, #tpu.memory_space<hbm>>) dst(%dma_wait3A_212 : memref<80x64xf32, #tpu.memory_space<vmem>>)
      %add3A_216 = arith.constant 2 : i32
      %add3A_217 = arith.addi %mul3A_144, %add3A_216 : i32
      %mul3A_218 = arith.constant 80 : i32
      %mul3A_219 = arith.muli %add3A_217, %mul3A_218 : i32
      %dma_start3A_220 = arith.constant 2 : i32
      %dma_start3A_221 = arith.constant 0 : i32
      %dma_start3A_222 = arith.constant 0 : i32
      %dma_start3A_223 = tpu.memref_slice %arg7[%dma_start3A_220, %dma_start3A_221, %dma_start3A_222] : memref<5x80x64xf32, #tpu.memory_space<vmem>> -> memref<1x80x64xf32, #tpu.memory_space<vmem>>
      %dma_start3A_224 = tpu.memref_squeeze %dma_start3A_223 : memref<1x80x64xf32, #tpu.memory_space<vmem>> -> memref<80x64xf32, #tpu.memory_space<vmem>>
      %dma_start3A_225 = tpu.memref_slice %arg6[%mul3A_219] : memref<10000xi32, #tpu.memory_space<vmem>> -> memref<80xi32, #tpu.memory_space<vmem>>
      %dma_start3A_226 = arith.constant 0 : i32
      %dma_start3A_227 = arith.constant 0 : i32
      %dma_start3A_228 = tpu.memref_slice %arg8[%dma_start3A_226, %dma_start3A_227] : memref<10000x64xf32, #tpu.memory_space<vmem_shared>> -> memref<10000x64xf32, #tpu.memory_space<vmem_shared>>
      tpu.enqueue_indirect_dma source(%dma_start3A_224 : memref<80x64xf32, #tpu.memory_space<vmem>>) target(%dma_start3A_228 : memref<10000x64xf32, #tpu.memory_space<vmem_shared>>) offsets(%dma_start3A_225 : memref<80xi32, #tpu.memory_space<vmem>>) semaphore(%arg16 : memref<!tpu.dma_semaphore, #tpu.memory_space<semaphore_mem>>) {add = true}
      %dma_wait3A_229 = arith.constant 3 : i32
      %dma_wait3A_230 = arith.constant 0 : i32
      %dma_wait3A_231 = arith.constant 0 : i32
      %dma_wait3A_232 = tpu.memref_slice %arg7[%dma_wait3A_229, %dma_wait3A_230, %dma_wait3A_231] : memref<5x80x64xf32, #tpu.memory_space<vmem>> -> memref<1x80x64xf32, #tpu.memory_space<vmem>>
      %dma_wait3A_233 = tpu.memref_squeeze %dma_wait3A_232 : memref<1x80x64xf32, #tpu.memory_space<vmem>> -> memref<80x64xf32, #tpu.memory_space<vmem>>
      %dma_wait3A_234 = arith.constant 0 : i32
      %dma_wait3A_235 = arith.constant 0 : i32
      %dma_wait3A_236 = tpu.memref_slice %arg3[%dma_wait3A_234, %dma_wait3A_235] : memref<10000x64xf32, #tpu.memory_space<hbm>> -> memref<80x64xf32, #tpu.memory_space<hbm>>
      %dma_wait3A_237 = arith.constant 0 : i32
      %dma_wait3A_238 = arith.constant 0 : i32
      %dma_wait3A_239 = tpu.memref_slice %arg7[%dma_wait3A_229, %dma_wait3A_237, %dma_wait3A_238] : memref<5x80x64xf32, #tpu.memory_space<vmem>> -> memref<1x80x64xf32, #tpu.memory_space<vmem>>
      %dma_wait3A_240 = tpu.memref_squeeze %dma_wait3A_239 : memref<1x80x64xf32, #tpu.memory_space<vmem>> -> memref<80x64xf32, #tpu.memory_space<vmem>>
      %dma_wait3A_241 = arith.constant 0 : i32
      %dma_wait3A_242 = arith.constant 0 : i32
      %dma_wait3A_243 = tpu.memref_slice %arg3[%dma_wait3A_241, %dma_wait3A_242] : memref<10000x64xf32, #tpu.memory_space<hbm>> -> memref<80x64xf32, #tpu.memory_space<hbm>>
      tpu.wait_dma2 semaphore(%arg12 : memref<!tpu.dma_semaphore, #tpu.memory_space<semaphore_mem>>) src(%dma_wait3A_243 : memref<80x64xf32, #tpu.memory_space<hbm>>) dst(%dma_wait3A_240 : memref<80x64xf32, #tpu.memory_space<vmem>>)
      %add3A_244 = arith.constant 3 : i32
      %add3A_245 = arith.addi %mul3A_144, %add3A_244 : i32
      %mul3A_246 = arith.constant 80 : i32
      %mul3A_247 = arith.muli %add3A_245, %mul3A_246 : i32
      %dma_start3A_248 = arith.constant 3 : i32
      %dma_start3A_249 = arith.constant 0 : i32
      %dma_start3A_250 = arith.constant 0 : i32
      %dma_start3A_251 = tpu.memref_slice %arg7[%dma_start3A_248, %dma_start3A_249, %dma_start3A_250] : memref<5x80x64xf32, #tpu.memory_space<vmem>> -> memref<1x80x64xf32, #tpu.memory_space<vmem>>
      %dma_start3A_252 = tpu.memref_squeeze %dma_start3A_251 : memref<1x80x64xf32, #tpu.memory_space<vmem>> -> memref<80x64xf32, #tpu.memory_space<vmem>>
      %dma_start3A_253 = tpu.memref_slice %arg6[%mul3A_247] : memref<10000xi32, #tpu.memory_space<vmem>> -> memref<80xi32, #tpu.memory_space<vmem>>
      %dma_start3A_254 = arith.constant 0 : i32
      %dma_start3A_255 = arith.constant 0 : i32
      %dma_start3A_256 = tpu.memref_slice %arg8[%dma_start3A_254, %dma_start3A_255] : memref<10000x64xf32, #tpu.memory_space<vmem_shared>> -> memref<10000x64xf32, #tpu.memory_space<vmem_shared>>
      tpu.enqueue_indirect_dma source(%dma_start3A_252 : memref<80x64xf32, #tpu.memory_space<vmem>>) target(%dma_start3A_256 : memref<10000x64xf32, #tpu.memory_space<vmem_shared>>) offsets(%dma_start3A_253 : memref<80xi32, #tpu.memory_space<vmem>>) semaphore(%arg17 : memref<!tpu.dma_semaphore, #tpu.memory_space<semaphore_mem>>) {add = true}
      %dma_wait3A_257 = arith.constant 4 : i32
      %dma_wait3A_258 = arith.constant 0 : i32
      %dma_wait3A_259 = arith.constant 0 : i32
      %dma_wait3A_260 = tpu.memref_slice %arg7[%dma_wait3A_257, %dma_wait3A_258, %dma_wait3A_259] : memref<5x80x64xf32, #tpu.memory_space<vmem>> -> memref<1x80x64xf32, #tpu.memory_space<vmem>>
      %dma_wait3A_261 = tpu.memref_squeeze %dma_wait3A_260 : memref<1x80x64xf32, #tpu.memory_space<vmem>> -> memref<80x64xf32, #tpu.memory_space<vmem>>
      %dma_wait3A_262 = arith.constant 0 : i32
      %dma_wait3A_263 = arith.constant 0 : i32
      %dma_wait3A_264 = tpu.memref_slice %arg3[%dma_wait3A_262, %dma_wait3A_263] : memref<10000x64xf32, #tpu.memory_space<hbm>> -> memref<80x64xf32, #tpu.memory_space<hbm>>
      %dma_wait3A_265 = arith.constant 0 : i32
      %dma_wait3A_266 = arith.constant 0 : i32
      %dma_wait3A_267 = tpu.memref_slice %arg7[%dma_wait3A_257, %dma_wait3A_265, %dma_wait3A_266] : memref<5x80x64xf32, #tpu.memory_space<vmem>> -> memref<1x80x64xf32, #tpu.memory_space<vmem>>
      %dma_wait3A_268 = tpu.memref_squeeze %dma_wait3A_267 : memref<1x80x64xf32, #tpu.memory_space<vmem>> -> memref<80x64xf32, #tpu.memory_space<vmem>>
      %dma_wait3A_269 = arith.constant 0 : i32
      %dma_wait3A_270 = arith.constant 0 : i32
      %dma_wait3A_271 = tpu.memref_slice %arg3[%dma_wait3A_269, %dma_wait3A_270] : memref<10000x64xf32, #tpu.memory_space<hbm>> -> memref<80x64xf32, #tpu.memory_space<hbm>>
      tpu.wait_dma2 semaphore(%arg13 : memref<!tpu.dma_semaphore, #tpu.memory_space<semaphore_mem>>) src(%dma_wait3A_271 : memref<80x64xf32, #tpu.memory_space<hbm>>) dst(%dma_wait3A_268 : memref<80x64xf32, #tpu.memory_space<vmem>>)
      %add3A_272 = arith.constant 4 : i32
      %add3A_273 = arith.addi %mul3A_144, %add3A_272 : i32
      %mul3A_274 = arith.constant 80 : i32
      %mul3A_275 = arith.muli %add3A_273, %mul3A_274 : i32
      %dma_start3A_276 = arith.constant 4 : i32
      %dma_start3A_277 = arith.constant 0 : i32
      %dma_start3A_278 = arith.constant 0 : i32
      %dma_start3A_279 = tpu.memref_slice %arg7[%dma_start3A_276, %dma_start3A_277, %dma_start3A_278] : memref<5x80x64xf32, #tpu.memory_space<vmem>> -> memref<1x80x64xf32, #tpu.memory_space<vmem>>
      %dma_start3A_280 = tpu.memref_squeeze %dma_start3A_279 : memref<1x80x64xf32, #tpu.memory_space<vmem>> -> memref<80x64xf32, #tpu.memory_space<vmem>>
      %dma_start3A_281 = tpu.memref_slice %arg6[%mul3A_275] : memref<10000xi32, #tpu.memory_space<vmem>> -> memref<80xi32, #tpu.memory_space<vmem>>
      %dma_start3A_282 = arith.constant 0 : i32
      %dma_start3A_283 = arith.constant 0 : i32
      %dma_start3A_284 = tpu.memref_slice %arg8[%dma_start3A_282, %dma_start3A_283] : memref<10000x64xf32, #tpu.memory_space<vmem_shared>> -> memref<10000x64xf32, #tpu.memory_space<vmem_shared>>
      tpu.enqueue_indirect_dma source(%dma_start3A_280 : memref<80x64xf32, #tpu.memory_space<vmem>>) target(%dma_start3A_284 : memref<10000x64xf32, #tpu.memory_space<vmem_shared>>) offsets(%dma_start3A_281 : memref<80xi32, #tpu.memory_space<vmem>>) semaphore(%arg18 : memref<!tpu.dma_semaphore, #tpu.memory_space<semaphore_mem>>) {add = true}
      %add3A_285 = arith.constant 5 : i32
      %add3A_286 = arith.addi %mul3A_144, %add3A_285 : i32
      %add3A_287 = arith.constant 0 : i32
      %add3A_288 = arith.addi %add3A_286, %add3A_287 : i32
      %lt3A_289 = arith.constant 125 : i32
      %lt3A_290 = arith.cmpi slt, %add3A_288, %lt3A_289 : i32
      %convert_element_type3A_291 = arith.extui %lt3A_290 : i1 to i32
      %cond3A_292 = arith.constant 0 : i32
      %cond3A_293 = arith.cmpi ne, %convert_element_type3A_291, %cond3A_292 : i32
      scf.if %cond3A_293 {
        %dma_wait3A_330 = arith.constant 0 : i32
        %dma_wait3A_331 = arith.constant 0 : i32
        %dma_wait3A_332 = arith.constant 0 : i32
        %dma_wait3A_333 = tpu.memref_slice %arg7[%dma_wait3A_330, %dma_wait3A_331, %dma_wait3A_332] : memref<5x80x64xf32, #tpu.memory_space<vmem>> -> memref<1x80x64xf32, #tpu.memory_space<vmem>>
        %dma_wait3A_334 = tpu.memref_squeeze %dma_wait3A_333 : memref<1x80x64xf32, #tpu.memory_space<vmem>> -> memref<80x64xf32, #tpu.memory_space<vmem>>
        %dma_wait3A_335 = arith.constant 0 : i32
        %dma_wait3A_336 = arith.constant 0 : i32
        %dma_wait3A_337 = tpu.memref_slice %arg8[%dma_wait3A_335, %dma_wait3A_336] : memref<10000x64xf32, #tpu.memory_space<vmem_shared>> -> memref<80x64xf32, #tpu.memory_space<vmem_shared>>
        %dma_wait3A_338 = arith.constant 0 : i32
        %dma_wait3A_339 = arith.constant 0 : i32
        %dma_wait3A_340 = tpu.memref_slice %arg8[%dma_wait3A_338, %dma_wait3A_339] : memref<10000x64xf32, #tpu.memory_space<vmem_shared>> -> memref<80x64xf32, #tpu.memory_space<vmem_shared>>
        %dma_wait3A_341 = arith.constant 0 : i32
        %dma_wait3A_342 = arith.constant 0 : i32
        %dma_wait3A_343 = tpu.memref_slice %arg7[%dma_wait3A_330, %dma_wait3A_341, %dma_wait3A_342] : memref<5x80x64xf32, #tpu.memory_space<vmem>> -> memref<1x80x64xf32, #tpu.memory_space<vmem>>
        %dma_wait3A_344 = tpu.memref_squeeze %dma_wait3A_343 : memref<1x80x64xf32, #tpu.memory_space<vmem>> -> memref<80x64xf32, #tpu.memory_space<vmem>>
        tpu.wait_dma2 semaphore(%arg14 : memref<!tpu.dma_semaphore, #tpu.memory_space<semaphore_mem>>) src(%dma_wait3A_344 : memref<80x64xf32, #tpu.memory_space<vmem>>) dst(%dma_wait3A_340 : memref<80x64xf32, #tpu.memory_space<vmem_shared>>)
        %mul3A_345 = arith.constant 80 : i32
        %mul3A_346 = arith.muli %add3A_288, %mul3A_345 : i32
        %dma_start3A_347 = arith.constant 0 : i32
        %dma_start3A_348 = arith.constant 0 : i32
        %dma_start3A_349 = arith.constant 0 : i32
        %dma_start3A_350 = tpu.memref_slice %arg7[%dma_start3A_347, %dma_start3A_348, %dma_start3A_349] : memref<5x80x64xf32, #tpu.memory_space<vmem>> -> memref<1x80x64xf32, #tpu.memory_space<vmem>>
        %dma_start3A_351 = tpu.memref_squeeze %dma_start3A_350 : memref<1x80x64xf32, #tpu.memory_space<vmem>> -> memref<80x64xf32, #tpu.memory_space<vmem>>
        %dma_start3A_352 = tpu.memref_slice %arg5[%mul3A_346] : memref<10000xi32, #tpu.memory_space<vmem>> -> memref<80xi32, #tpu.memory_space<vmem>>
        %dma_start3A_353 = arith.constant 0 : i32
        %dma_start3A_354 = arith.constant 0 : i32
        %dma_start3A_355 = tpu.memref_slice %arg3[%dma_start3A_353, %dma_start3A_354] : memref<10000x64xf32, #tpu.memory_space<hbm>> -> memref<10000x64xf32, #tpu.memory_space<hbm>>
        tpu.enqueue_indirect_dma source(%dma_start3A_355 : memref<10000x64xf32, #tpu.memory_space<hbm>>) target(%dma_start3A_351 : memref<80x64xf32, #tpu.memory_space<vmem>>) offsets(%dma_start3A_352 : memref<80xi32, #tpu.memory_space<vmem>>) semaphore(%arg9 : memref<!tpu.dma_semaphore, #tpu.memory_space<semaphore_mem>>)
      } else {
      }
      %add3A_294 = arith.constant 5 : i32
      %add3A_295 = arith.addi %mul3A_144, %add3A_294 : i32
      %add3A_296 = arith.constant 1 : i32
      %add3A_297 = arith.addi %add3A_295, %add3A_296 : i32
      %lt3A_298 = arith.constant 125 : i32
      %lt3A_299 = arith.cmpi slt, %add3A_297, %lt3A_298 : i32
      %convert_element_type3A_300 = arith.extui %lt3A_299 : i1 to i32
      %cond3A_301 = arith.constant 0 : i32
      %cond3A_302 = arith.cmpi ne, %convert_element_type3A_300, %cond3A_301 : i32
      scf.if %cond3A_302 {
        %dma_wait3A_330 = arith.constant 1 : i32
        %dma_wait3A_331 = arith.constant 0 : i32
        %dma_wait3A_332 = arith.constant 0 : i32
        %dma_wait3A_333 = tpu.memref_slice %arg7[%dma_wait3A_330, %dma_wait3A_331, %dma_wait3A_332] : memref<5x80x64xf32, #tpu.memory_space<vmem>> -> memref<1x80x64xf32, #tpu.memory_space<vmem>>
        %dma_wait3A_334 = tpu.memref_squeeze %dma_wait3A_333 : memref<1x80x64xf32, #tpu.memory_space<vmem>> -> memref<80x64xf32, #tpu.memory_space<vmem>>
        %dma_wait3A_335 = arith.constant 0 : i32
        %dma_wait3A_336 = arith.constant 0 : i32
        %dma_wait3A_337 = tpu.memref_slice %arg8[%dma_wait3A_335, %dma_wait3A_336] : memref<10000x64xf32, #tpu.memory_space<vmem_shared>> -> memref<80x64xf32, #tpu.memory_space<vmem_shared>>
        %dma_wait3A_338 = arith.constant 0 : i32
        %dma_wait3A_339 = arith.constant 0 : i32
        %dma_wait3A_340 = tpu.memref_slice %arg8[%dma_wait3A_338, %dma_wait3A_339] : memref<10000x64xf32, #tpu.memory_space<vmem_shared>> -> memref<80x64xf32, #tpu.memory_space<vmem_shared>>
        %dma_wait3A_341 = arith.constant 0 : i32
        %dma_wait3A_342 = arith.constant 0 : i32
        %dma_wait3A_343 = tpu.memref_slice %arg7[%dma_wait3A_330, %dma_wait3A_341, %dma_wait3A_342] : memref<5x80x64xf32, #tpu.memory_space<vmem>> -> memref<1x80x64xf32, #tpu.memory_space<vmem>>
        %dma_wait3A_344 = tpu.memref_squeeze %dma_wait3A_343 : memref<1x80x64xf32, #tpu.memory_space<vmem>> -> memref<80x64xf32, #tpu.memory_space<vmem>>
        tpu.wait_dma2 semaphore(%arg15 : memref<!tpu.dma_semaphore, #tpu.memory_space<semaphore_mem>>) src(%dma_wait3A_344 : memref<80x64xf32, #tpu.memory_space<vmem>>) dst(%dma_wait3A_340 : memref<80x64xf32, #tpu.memory_space<vmem_shared>>)
        %mul3A_345 = arith.constant 80 : i32
        %mul3A_346 = arith.muli %add3A_297, %mul3A_345 : i32
        %dma_start3A_347 = arith.constant 1 : i32
        %dma_start3A_348 = arith.constant 0 : i32
        %dma_start3A_349 = arith.constant 0 : i32
        %dma_start3A_350 = tpu.memref_slice %arg7[%dma_start3A_347, %dma_start3A_348, %dma_start3A_349] : memref<5x80x64xf32, #tpu.memory_space<vmem>> -> memref<1x80x64xf32, #tpu.memory_space<vmem>>
        %dma_start3A_351 = tpu.memref_squeeze %dma_start3A_350 : memref<1x80x64xf32, #tpu.memory_space<vmem>> -> memref<80x64xf32, #tpu.memory_space<vmem>>
        %dma_start3A_352 = tpu.memref_slice %arg5[%mul3A_346] : memref<10000xi32, #tpu.memory_space<vmem>> -> memref<80xi32, #tpu.memory_space<vmem>>
        %dma_start3A_353 = arith.constant 0 : i32
        %dma_start3A_354 = arith.constant 0 : i32
        %dma_start3A_355 = tpu.memref_slice %arg3[%dma_start3A_353, %dma_start3A_354] : memref<10000x64xf32, #tpu.memory_space<hbm>> -> memref<10000x64xf32, #tpu.memory_space<hbm>>
        tpu.enqueue_indirect_dma source(%dma_start3A_355 : memref<10000x64xf32, #tpu.memory_space<hbm>>) target(%dma_start3A_351 : memref<80x64xf32, #tpu.memory_space<vmem>>) offsets(%dma_start3A_352 : memref<80xi32, #tpu.memory_space<vmem>>) semaphore(%arg10 : memref<!tpu.dma_semaphore, #tpu.memory_space<semaphore_mem>>)
      } else {
      }
      %add3A_303 = arith.constant 5 : i32
      %add3A_304 = arith.addi %mul3A_144, %add3A_303 : i32
      %add3A_305 = arith.constant 2 : i32
      %add3A_306 = arith.addi %add3A_304, %add3A_305 : i32
      %lt3A_307 = arith.constant 125 : i32
      %lt3A_308 = arith.cmpi slt, %add3A_306, %lt3A_307 : i32
      %convert_element_type3A_309 = arith.extui %lt3A_308 : i1 to i32
      %cond3A_310 = arith.constant 0 : i32
      %cond3A_311 = arith.cmpi ne, %convert_element_type3A_309, %cond3A_310 : i32
      scf.if %cond3A_311 {
        %dma_wait3A_330 = arith.constant 2 : i32
        %dma_wait3A_331 = arith.constant 0 : i32
        %dma_wait3A_332 = arith.constant 0 : i32
        %dma_wait3A_333 = tpu.memref_slice %arg7[%dma_wait3A_330, %dma_wait3A_331, %dma_wait3A_332] : memref<5x80x64xf32, #tpu.memory_space<vmem>> -> memref<1x80x64xf32, #tpu.memory_space<vmem>>
        %dma_wait3A_334 = tpu.memref_squeeze %dma_wait3A_333 : memref<1x80x64xf32, #tpu.memory_space<vmem>> -> memref<80x64xf32, #tpu.memory_space<vmem>>
        %dma_wait3A_335 = arith.constant 0 : i32
        %dma_wait3A_336 = arith.constant 0 : i32
        %dma_wait3A_337 = tpu.memref_slice %arg8[%dma_wait3A_335, %dma_wait3A_336] : memref<10000x64xf32, #tpu.memory_space<vmem_shared>> -> memref<80x64xf32, #tpu.memory_space<vmem_shared>>
        %dma_wait3A_338 = arith.constant 0 : i32
        %dma_wait3A_339 = arith.constant 0 : i32
        %dma_wait3A_340 = tpu.memref_slice %arg8[%dma_wait3A_338, %dma_wait3A_339] : memref<10000x64xf32, #tpu.memory_space<vmem_shared>> -> memref<80x64xf32, #tpu.memory_space<vmem_shared>>
        %dma_wait3A_341 = arith.constant 0 : i32
        %dma_wait3A_342 = arith.constant 0 : i32
        %dma_wait3A_343 = tpu.memref_slice %arg7[%dma_wait3A_330, %dma_wait3A_341, %dma_wait3A_342] : memref<5x80x64xf32, #tpu.memory_space<vmem>> -> memref<1x80x64xf32, #tpu.memory_space<vmem>>
        %dma_wait3A_344 = tpu.memref_squeeze %dma_wait3A_343 : memref<1x80x64xf32, #tpu.memory_space<vmem>> -> memref<80x64xf32, #tpu.memory_space<vmem>>
        tpu.wait_dma2 semaphore(%arg16 : memref<!tpu.dma_semaphore, #tpu.memory_space<semaphore_mem>>) src(%dma_wait3A_344 : memref<80x64xf32, #tpu.memory_space<vmem>>) dst(%dma_wait3A_340 : memref<80x64xf32, #tpu.memory_space<vmem_shared>>)
        %mul3A_345 = arith.constant 80 : i32
        %mul3A_346 = arith.muli %add3A_306, %mul3A_345 : i32
        %dma_start3A_347 = arith.constant 2 : i32
        %dma_start3A_348 = arith.constant 0 : i32
        %dma_start3A_349 = arith.constant 0 : i32
        %dma_start3A_350 = tpu.memref_slice %arg7[%dma_start3A_347, %dma_start3A_348, %dma_start3A_349] : memref<5x80x64xf32, #tpu.memory_space<vmem>> -> memref<1x80x64xf32, #tpu.memory_space<vmem>>
        %dma_start3A_351 = tpu.memref_squeeze %dma_start3A_350 : memref<1x80x64xf32, #tpu.memory_space<vmem>> -> memref<80x64xf32, #tpu.memory_space<vmem>>
        %dma_start3A_352 = tpu.memref_slice %arg5[%mul3A_346] : memref<10000xi32, #tpu.memory_space<vmem>> -> memref<80xi32, #tpu.memory_space<vmem>>
        %dma_start3A_353 = arith.constant 0 : i32
        %dma_start3A_354 = arith.constant 0 : i32
        %dma_start3A_355 = tpu.memref_slice %arg3[%dma_start3A_353, %dma_start3A_354] : memref<10000x64xf32, #tpu.memory_space<hbm>> -> memref<10000x64xf32, #tpu.memory_space<hbm>>
        tpu.enqueue_indirect_dma source(%dma_start3A_355 : memref<10000x64xf32, #tpu.memory_space<hbm>>) target(%dma_start3A_351 : memref<80x64xf32, #tpu.memory_space<vmem>>) offsets(%dma_start3A_352 : memref<80xi32, #tpu.memory_space<vmem>>) semaphore(%arg11 : memref<!tpu.dma_semaphore, #tpu.memory_space<semaphore_mem>>)
      } else {
      }
      %add3A_312 = arith.constant 5 : i32
      %add3A_313 = arith.addi %mul3A_144, %add3A_312 : i32
      %add3A_314 = arith.constant 3 : i32
      %add3A_315 = arith.addi %add3A_313, %add3A_314 : i32
      %lt3A_316 = arith.constant 125 : i32
      %lt3A_317 = arith.cmpi slt, %add3A_315, %lt3A_316 : i32
      %convert_element_type3A_318 = arith.extui %lt3A_317 : i1 to i32
      %cond3A_319 = arith.constant 0 : i32
      %cond3A_320 = arith.cmpi ne, %convert_element_type3A_318, %cond3A_319 : i32
      scf.if %cond3A_320 {
        %dma_wait3A_330 = arith.constant 3 : i32
        %dma_wait3A_331 = arith.constant 0 : i32
        %dma_wait3A_332 = arith.constant 0 : i32
        %dma_wait3A_333 = tpu.memref_slice %arg7[%dma_wait3A_330, %dma_wait3A_331, %dma_wait3A_332] : memref<5x80x64xf32, #tpu.memory_space<vmem>> -> memref<1x80x64xf32, #tpu.memory_space<vmem>>
        %dma_wait3A_334 = tpu.memref_squeeze %dma_wait3A_333 : memref<1x80x64xf32, #tpu.memory_space<vmem>> -> memref<80x64xf32, #tpu.memory_space<vmem>>
        %dma_wait3A_335 = arith.constant 0 : i32
        %dma_wait3A_336 = arith.constant 0 : i32
        %dma_wait3A_337 = tpu.memref_slice %arg8[%dma_wait3A_335, %dma_wait3A_336] : memref<10000x64xf32, #tpu.memory_space<vmem_shared>> -> memref<80x64xf32, #tpu.memory_space<vmem_shared>>
        %dma_wait3A_338 = arith.constant 0 : i32
        %dma_wait3A_339 = arith.constant 0 : i32
        %dma_wait3A_340 = tpu.memref_slice %arg8[%dma_wait3A_338, %dma_wait3A_339] : memref<10000x64xf32, #tpu.memory_space<vmem_shared>> -> memref<80x64xf32, #tpu.memory_space<vmem_shared>>
        %dma_wait3A_341 = arith.constant 0 : i32
        %dma_wait3A_342 = arith.constant 0 : i32
        %dma_wait3A_343 = tpu.memref_slice %arg7[%dma_wait3A_330, %dma_wait3A_341, %dma_wait3A_342] : memref<5x80x64xf32, #tpu.memory_space<vmem>> -> memref<1x80x64xf32, #tpu.memory_space<vmem>>
        %dma_wait3A_344 = tpu.memref_squeeze %dma_wait3A_343 : memref<1x80x64xf32, #tpu.memory_space<vmem>> -> memref<80x64xf32, #tpu.memory_space<vmem>>
        tpu.wait_dma2 semaphore(%arg17 : memref<!tpu.dma_semaphore, #tpu.memory_space<semaphore_mem>>) src(%dma_wait3A_344 : memref<80x64xf32, #tpu.memory_space<vmem>>) dst(%dma_wait3A_340 : memref<80x64xf32, #tpu.memory_space<vmem_shared>>)
        %mul3A_345 = arith.constant 80 : i32
        %mul3A_346 = arith.muli %add3A_315, %mul3A_345 : i32
        %dma_start3A_347 = arith.constant 3 : i32
        %dma_start3A_348 = arith.constant 0 : i32
        %dma_start3A_349 = arith.constant 0 : i32
        %dma_start3A_350 = tpu.memref_slice %arg7[%dma_start3A_347, %dma_start3A_348, %dma_start3A_349] : memref<5x80x64xf32, #tpu.memory_space<vmem>> -> memref<1x80x64xf32, #tpu.memory_space<vmem>>
        %dma_start3A_351 = tpu.memref_squeeze %dma_start3A_350 : memref<1x80x64xf32, #tpu.memory_space<vmem>> -> memref<80x64xf32, #tpu.memory_space<vmem>>
        %dma_start3A_352 = tpu.memref_slice %arg5[%mul3A_346] : memref<10000xi32, #tpu.memory_space<vmem>> -> memref<80xi32, #tpu.memory_space<vmem>>
        %dma_start3A_353 = arith.constant 0 : i32
        %dma_start3A_354 = arith.constant 0 : i32
        %dma_start3A_355 = tpu.memref_slice %arg3[%dma_start3A_353, %dma_start3A_354] : memref<10000x64xf32, #tpu.memory_space<hbm>> -> memref<10000x64xf32, #tpu.memory_space<hbm>>
        tpu.enqueue_indirect_dma source(%dma_start3A_355 : memref<10000x64xf32, #tpu.memory_space<hbm>>) target(%dma_start3A_351 : memref<80x64xf32, #tpu.memory_space<vmem>>) offsets(%dma_start3A_352 : memref<80xi32, #tpu.memory_space<vmem>>) semaphore(%arg12 : memref<!tpu.dma_semaphore, #tpu.memory_space<semaphore_mem>>)
      } else {
      }
      %add3A_321 = arith.constant 5 : i32
      %add3A_322 = arith.addi %mul3A_144, %add3A_321 : i32
      %add3A_323 = arith.constant 4 : i32
      %add3A_324 = arith.addi %add3A_322, %add3A_323 : i32
      %lt3A_325 = arith.constant 125 : i32
      %lt3A_326 = arith.cmpi slt, %add3A_324, %lt3A_325 : i32
      %convert_element_type3A_327 = arith.extui %lt3A_326 : i1 to i32
      %cond3A_328 = arith.constant 0 : i32
      %cond3A_329 = arith.cmpi ne, %convert_element_type3A_327, %cond3A_328 : i32
      scf.if %cond3A_329 {
        %dma_wait3A_330 = arith.constant 4 : i32
        %dma_wait3A_331 = arith.constant 0 : i32
        %dma_wait3A_332 = arith.constant 0 : i32
        %dma_wait3A_333 = tpu.memref_slice %arg7[%dma_wait3A_330, %dma_wait3A_331, %dma_wait3A_332] : memref<5x80x64xf32, #tpu.memory_space<vmem>> -> memref<1x80x64xf32, #tpu.memory_space<vmem>>
        %dma_wait3A_334 = tpu.memref_squeeze %dma_wait3A_333 : memref<1x80x64xf32, #tpu.memory_space<vmem>> -> memref<80x64xf32, #tpu.memory_space<vmem>>
        %dma_wait3A_335 = arith.constant 0 : i32
        %dma_wait3A_336 = arith.constant 0 : i32
        %dma_wait3A_337 = tpu.memref_slice %arg8[%dma_wait3A_335, %dma_wait3A_336] : memref<10000x64xf32, #tpu.memory_space<vmem_shared>> -> memref<80x64xf32, #tpu.memory_space<vmem_shared>>
        %dma_wait3A_338 = arith.constant 0 : i32
        %dma_wait3A_339 = arith.constant 0 : i32
        %dma_wait3A_340 = tpu.memref_slice %arg8[%dma_wait3A_338, %dma_wait3A_339] : memref<10000x64xf32, #tpu.memory_space<vmem_shared>> -> memref<80x64xf32, #tpu.memory_space<vmem_shared>>
        %dma_wait3A_341 = arith.constant 0 : i32
        %dma_wait3A_342 = arith.constant 0 : i32
        %dma_wait3A_343 = tpu.memref_slice %arg7[%dma_wait3A_330, %dma_wait3A_341, %dma_wait3A_342] : memref<5x80x64xf32, #tpu.memory_space<vmem>> -> memref<1x80x64xf32, #tpu.memory_space<vmem>>
        %dma_wait3A_344 = tpu.memref_squeeze %dma_wait3A_343 : memref<1x80x64xf32, #tpu.memory_space<vmem>> -> memref<80x64xf32, #tpu.memory_space<vmem>>
        tpu.wait_dma2 semaphore(%arg18 : memref<!tpu.dma_semaphore, #tpu.memory_space<semaphore_mem>>) src(%dma_wait3A_344 : memref<80x64xf32, #tpu.memory_space<vmem>>) dst(%dma_wait3A_340 : memref<80x64xf32, #tpu.memory_space<vmem_shared>>)
        %mul3A_345 = arith.constant 80 : i32
        %mul3A_346 = arith.muli %add3A_324, %mul3A_345 : i32
        %dma_start3A_347 = arith.constant 4 : i32
        %dma_start3A_348 = arith.constant 0 : i32
        %dma_start3A_349 = arith.constant 0 : i32
        %dma_start3A_350 = tpu.memref_slice %arg7[%dma_start3A_347, %dma_start3A_348, %dma_start3A_349] : memref<5x80x64xf32, #tpu.memory_space<vmem>> -> memref<1x80x64xf32, #tpu.memory_space<vmem>>
        %dma_start3A_351 = tpu.memref_squeeze %dma_start3A_350 : memref<1x80x64xf32, #tpu.memory_space<vmem>> -> memref<80x64xf32, #tpu.memory_space<vmem>>
        %dma_start3A_352 = tpu.memref_slice %arg5[%mul3A_346] : memref<10000xi32, #tpu.memory_space<vmem>> -> memref<80xi32, #tpu.memory_space<vmem>>
        %dma_start3A_353 = arith.constant 0 : i32
        %dma_start3A_354 = arith.constant 0 : i32
        %dma_start3A_355 = tpu.memref_slice %arg3[%dma_start3A_353, %dma_start3A_354] : memref<10000x64xf32, #tpu.memory_space<hbm>> -> memref<10000x64xf32, #tpu.memory_space<hbm>>
        tpu.enqueue_indirect_dma source(%dma_start3A_355 : memref<10000x64xf32, #tpu.memory_space<hbm>>) target(%dma_start3A_351 : memref<80x64xf32, #tpu.memory_space<vmem>>) offsets(%dma_start3A_352 : memref<80xi32, #tpu.memory_space<vmem>>) semaphore(%arg13 : memref<!tpu.dma_semaphore, #tpu.memory_space<semaphore_mem>>)
      } else {
      }
    }
    %scan3A_61 = arith.constant 25 : i32
    %dma_wait3A = arith.constant 0 : i32
    %dma_wait3A_62 = arith.constant 0 : i32
    %dma_wait3A_63 = arith.constant 0 : i32
    %dma_wait3A_64 = tpu.memref_slice %arg7[%dma_wait3A, %dma_wait3A_62, %dma_wait3A_63] : memref<5x80x64xf32, #tpu.memory_space<vmem>> -> memref<1x80x64xf32, #tpu.memory_space<vmem>>
    %dma_wait3A_65 = tpu.memref_squeeze %dma_wait3A_64 : memref<1x80x64xf32, #tpu.memory_space<vmem>> -> memref<80x64xf32, #tpu.memory_space<vmem>>
    %dma_wait3A_66 = arith.constant 0 : i32
    %dma_wait3A_67 = arith.constant 0 : i32
    %dma_wait3A_68 = tpu.memref_slice %arg8[%dma_wait3A_66, %dma_wait3A_67] : memref<10000x64xf32, #tpu.memory_space<vmem_shared>> -> memref<80x64xf32, #tpu.memory_space<vmem_shared>>
    %dma_wait3A_69 = arith.constant 0 : i32
    %dma_wait3A_70 = arith.constant 0 : i32
    %dma_wait3A_71 = tpu.memref_slice %arg8[%dma_wait3A_69, %dma_wait3A_70] : memref<10000x64xf32, #tpu.memory_space<vmem_shared>> -> memref<80x64xf32, #tpu.memory_space<vmem_shared>>
    %dma_wait3A_72 = arith.constant 0 : i32
    %dma_wait3A_73 = arith.constant 0 : i32
    %dma_wait3A_74 = tpu.memref_slice %arg7[%dma_wait3A, %dma_wait3A_72, %dma_wait3A_73] : memref<5x80x64xf32, #tpu.memory_space<vmem>> -> memref<1x80x64xf32, #tpu.memory_space<vmem>>
    %dma_wait3A_75 = tpu.memref_squeeze %dma_wait3A_74 : memref<1x80x64xf32, #tpu.memory_space<vmem>> -> memref<80x64xf32, #tpu.memory_space<vmem>>
    tpu.wait_dma2 semaphore(%arg14 : memref<!tpu.dma_semaphore, #tpu.memory_space<semaphore_mem>>) src(%dma_wait3A_75 : memref<80x64xf32, #tpu.memory_space<vmem>>) dst(%dma_wait3A_71 : memref<80x64xf32, #tpu.memory_space<vmem_shared>>)
    %dma_wait3A_76 = arith.constant 1 : i32
    %dma_wait3A_77 = arith.constant 0 : i32
    %dma_wait3A_78 = arith.constant 0 : i32
    %dma_wait3A_79 = tpu.memref_slice %arg7[%dma_wait3A_76, %dma_wait3A_77, %dma_wait3A_78] : memref<5x80x64xf32, #tpu.memory_space<vmem>> -> memref<1x80x64xf32, #tpu.memory_space<vmem>>
    %dma_wait3A_80 = tpu.memref_squeeze %dma_wait3A_79 : memref<1x80x64xf32, #tpu.memory_space<vmem>> -> memref<80x64xf32, #tpu.memory_space<vmem>>
    %dma_wait3A_81 = arith.constant 0 : i32
    %dma_wait3A_82 = arith.constant 0 : i32
    %dma_wait3A_83 = tpu.memref_slice %arg8[%dma_wait3A_81, %dma_wait3A_82] : memref<10000x64xf32, #tpu.memory_space<vmem_shared>> -> memref<80x64xf32, #tpu.memory_space<vmem_shared>>
    %dma_wait3A_84 = arith.constant 0 : i32
    %dma_wait3A_85 = arith.constant 0 : i32
    %dma_wait3A_86 = tpu.memref_slice %arg8[%dma_wait3A_84, %dma_wait3A_85] : memref<10000x64xf32, #tpu.memory_space<vmem_shared>> -> memref<80x64xf32, #tpu.memory_space<vmem_shared>>
    %dma_wait3A_87 = arith.constant 0 : i32
    %dma_wait3A_88 = arith.constant 0 : i32
    %dma_wait3A_89 = tpu.memref_slice %arg7[%dma_wait3A_76, %dma_wait3A_87, %dma_wait3A_88] : memref<5x80x64xf32, #tpu.memory_space<vmem>> -> memref<1x80x64xf32, #tpu.memory_space<vmem>>
    %dma_wait3A_90 = tpu.memref_squeeze %dma_wait3A_89 : memref<1x80x64xf32, #tpu.memory_space<vmem>> -> memref<80x64xf32, #tpu.memory_space<vmem>>
    tpu.wait_dma2 semaphore(%arg15 : memref<!tpu.dma_semaphore, #tpu.memory_space<semaphore_mem>>) src(%dma_wait3A_90 : memref<80x64xf32, #tpu.memory_space<vmem>>) dst(%dma_wait3A_86 : memref<80x64xf32, #tpu.memory_space<vmem_shared>>)
    %dma_wait3A_91 = arith.constant 2 : i32
    %dma_wait3A_92 = arith.constant 0 : i32
    %dma_wait3A_93 = arith.constant 0 : i32
    %dma_wait3A_94 = tpu.memref_slice %arg7[%dma_wait3A_91, %dma_wait3A_92, %dma_wait3A_93] : memref<5x80x64xf32, #tpu.memory_space<vmem>> -> memref<1x80x64xf32, #tpu.memory_space<vmem>>
    %dma_wait3A_95 = tpu.memref_squeeze %dma_wait3A_94 : memref<1x80x64xf32, #tpu.memory_space<vmem>> -> memref<80x64xf32, #tpu.memory_space<vmem>>
    %dma_wait3A_96 = arith.constant 0 : i32
    %dma_wait3A_97 = arith.constant 0 : i32
    %dma_wait3A_98 = tpu.memref_slice %arg8[%dma_wait3A_96, %dma_wait3A_97] : memref<10000x64xf32, #tpu.memory_space<vmem_shared>> -> memref<80x64xf32, #tpu.memory_space<vmem_shared>>
    %dma_wait3A_99 = arith.constant 0 : i32
    %dma_wait3A_100 = arith.constant 0 : i32
    %dma_wait3A_101 = tpu.memref_slice %arg8[%dma_wait3A_99, %dma_wait3A_100] : memref<10000x64xf32, #tpu.memory_space<vmem_shared>> -> memref<80x64xf32, #tpu.memory_space<vmem_shared>>
    %dma_wait3A_102 = arith.constant 0 : i32
    %dma_wait3A_103 = arith.constant 0 : i32
    %dma_wait3A_104 = tpu.memref_slice %arg7[%dma_wait3A_91, %dma_wait3A_102, %dma_wait3A_103] : memref<5x80x64xf32, #tpu.memory_space<vmem>> -> memref<1x80x64xf32, #tpu.memory_space<vmem>>
    %dma_wait3A_105 = tpu.memref_squeeze %dma_wait3A_104 : memref<1x80x64xf32, #tpu.memory_space<vmem>> -> memref<80x64xf32, #tpu.memory_space<vmem>>
    tpu.wait_dma2 semaphore(%arg16 : memref<!tpu.dma_semaphore, #tpu.memory_space<semaphore_mem>>) src(%dma_wait3A_105 : memref<80x64xf32, #tpu.memory_space<vmem>>) dst(%dma_wait3A_101 : memref<80x64xf32, #tpu.memory_space<vmem_shared>>)
    %dma_wait3A_106 = arith.constant 3 : i32
    %dma_wait3A_107 = arith.constant 0 : i32
    %dma_wait3A_108 = arith.constant 0 : i32
    %dma_wait3A_109 = tpu.memref_slice %arg7[%dma_wait3A_106, %dma_wait3A_107, %dma_wait3A_108] : memref<5x80x64xf32, #tpu.memory_space<vmem>> -> memref<1x80x64xf32, #tpu.memory_space<vmem>>
    %dma_wait3A_110 = tpu.memref_squeeze %dma_wait3A_109 : memref<1x80x64xf32, #tpu.memory_space<vmem>> -> memref<80x64xf32, #tpu.memory_space<vmem>>
    %dma_wait3A_111 = arith.constant 0 : i32
    %dma_wait3A_112 = arith.constant 0 : i32
    %dma_wait3A_113 = tpu.memref_slice %arg8[%dma_wait3A_111, %dma_wait3A_112] : memref<10000x64xf32, #tpu.memory_space<vmem_shared>> -> memref<80x64xf32, #tpu.memory_space<vmem_shared>>
    %dma_wait3A_114 = arith.constant 0 : i32
    %dma_wait3A_115 = arith.constant 0 : i32
    %dma_wait3A_116 = tpu.memref_slice %arg8[%dma_wait3A_114, %dma_wait3A_115] : memref<10000x64xf32, #tpu.memory_space<vmem_shared>> -> memref<80x64xf32, #tpu.memory_space<vmem_shared>>
    %dma_wait3A_117 = arith.constant 0 : i32
    %dma_wait3A_118 = arith.constant 0 : i32
    %dma_wait3A_119 = tpu.memref_slice %arg7[%dma_wait3A_106, %dma_wait3A_117, %dma_wait3A_118] : memref<5x80x64xf32, #tpu.memory_space<vmem>> -> memref<1x80x64xf32, #tpu.memory_space<vmem>>
    %dma_wait3A_120 = tpu.memref_squeeze %dma_wait3A_119 : memref<1x80x64xf32, #tpu.memory_space<vmem>> -> memref<80x64xf32, #tpu.memory_space<vmem>>
    tpu.wait_dma2 semaphore(%arg17 : memref<!tpu.dma_semaphore, #tpu.memory_space<semaphore_mem>>) src(%dma_wait3A_120 : memref<80x64xf32, #tpu.memory_space<vmem>>) dst(%dma_wait3A_116 : memref<80x64xf32, #tpu.memory_space<vmem_shared>>)
    %dma_wait3A_121 = arith.constant 4 : i32
    %dma_wait3A_122 = arith.constant 0 : i32
    %dma_wait3A_123 = arith.constant 0 : i32
    %dma_wait3A_124 = tpu.memref_slice %arg7[%dma_wait3A_121, %dma_wait3A_122, %dma_wait3A_123] : memref<5x80x64xf32, #tpu.memory_space<vmem>> -> memref<1x80x64xf32, #tpu.memory_space<vmem>>
    %dma_wait3A_125 = tpu.memref_squeeze %dma_wait3A_124 : memref<1x80x64xf32, #tpu.memory_space<vmem>> -> memref<80x64xf32, #tpu.memory_space<vmem>>
    %dma_wait3A_126 = arith.constant 0 : i32
    %dma_wait3A_127 = arith.constant 0 : i32
    %dma_wait3A_128 = tpu.memref_slice %arg8[%dma_wait3A_126, %dma_wait3A_127] : memref<10000x64xf32, #tpu.memory_space<vmem_shared>> -> memref<80x64xf32, #tpu.memory_space<vmem_shared>>
    %dma_wait3A_129 = arith.constant 0 : i32
    %dma_wait3A_130 = arith.constant 0 : i32
    %dma_wait3A_131 = tpu.memref_slice %arg8[%dma_wait3A_129, %dma_wait3A_130] : memref<10000x64xf32, #tpu.memory_space<vmem_shared>> -> memref<80x64xf32, #tpu.memory_space<vmem_shared>>
    %dma_wait3A_132 = arith.constant 0 : i32
    %dma_wait3A_133 = arith.constant 0 : i32
    %dma_wait3A_134 = tpu.memref_slice %arg7[%dma_wait3A_121, %dma_wait3A_132, %dma_wait3A_133] : memref<5x80x64xf32, #tpu.memory_space<vmem>> -> memref<1x80x64xf32, #tpu.memory_space<vmem>>
    %dma_wait3A_135 = tpu.memref_squeeze %dma_wait3A_134 : memref<1x80x64xf32, #tpu.memory_space<vmem>> -> memref<80x64xf32, #tpu.memory_space<vmem>>
    tpu.wait_dma2 semaphore(%arg18 : memref<!tpu.dma_semaphore, #tpu.memory_space<semaphore_mem>>) src(%dma_wait3A_135 : memref<80x64xf32, #tpu.memory_space<vmem>>) dst(%dma_wait3A_131 : memref<80x64xf32, #tpu.memory_space<vmem_shared>>)
    %barrier3A_136 = arith.constant 0 : index
    tpu.barrier barrier_id(%barrier3A_136)
    %lt3A_137 = arith.constant 10 : i32
    %lt3A_138 = arith.cmpi slt, %arg1, %lt3A_137 : i32
    %convert_element_type3A_139 = arith.extui %lt3A_138 : i1 to i32
    %cond3A_140 = arith.constant 0 : i32
    %cond3A_141 = arith.cmpi ne, %convert_element_type3A_139, %cond3A_140 : i32
    scf.if %cond3A_141 {
      %mul3A_142 = arith.constant 1000 : i32
      %mul3A_143 = arith.muli %arg1, %mul3A_142 : i32
      %mul3A_144 = arith.constant 1000 : i32
      %mul3A_145 = arith.muli %arg1, %mul3A_144 : i32
      "tpu.region"() ({
        %run_scoped3A_146 = tpu.sem_alloc : memref<!tpu.dma_semaphore, #tpu.memory_space<semaphore_mem>>
        %dma_start3A_147 = arith.constant 0 : i32
        %dma_start3A_148 = tpu.memref_slice %arg4[%arg0, %mul3A_145, %dma_start3A_147] : memref<2x10000x64xf32, #tpu.memory_space<hbm>> -> memref<1x1000x64xf32, #tpu.memory_space<hbm>>
        %dma_start3A_149 = tpu.memref_squeeze %dma_start3A_148 : memref<1x1000x64xf32, #tpu.memory_space<hbm>> -> memref<1000x64xf32, #tpu.memory_space<hbm>>
        %dma_start3A_150 = arith.constant 0 : i32
        %dma_start3A_151 = tpu.memref_slice %arg8[%mul3A_143, %dma_start3A_150] : memref<10000x64xf32, #tpu.memory_space<vmem_shared>> -> memref<1000x64xf32, #tpu.memory_space<vmem_shared>>
        tpu.enqueue_dma source(%dma_start3A_151 : memref<1000x64xf32, #tpu.memory_space<vmem_shared>>) target(%dma_start3A_149 : memref<1000x64xf32, #tpu.memory_space<hbm>>) target_semaphore(%run_scoped3A_146 : memref<!tpu.dma_semaphore, #tpu.memory_space<semaphore_mem>>)
        %dma_wait3A_152 = arith.constant 0 : i32
        %dma_wait3A_153 = tpu.memref_slice %arg4[%arg0, %mul3A_145, %dma_wait3A_152] : memref<2x10000x64xf32, #tpu.memory_space<hbm>> -> memref<1x1000x64xf32, #tpu.memory_space<hbm>>
        %dma_wait3A_154 = tpu.memref_squeeze %dma_wait3A_153 : memref<1x1000x64xf32, #tpu.memory_space<hbm>> -> memref<1000x64xf32, #tpu.memory_space<hbm>>
        %dma_wait3A_155 = arith.constant 0 : i32
        %dma_wait3A_156 = tpu.memref_slice %arg8[%mul3A_143, %dma_wait3A_155] : memref<10000x64xf32, #tpu.memory_space<vmem_shared>> -> memref<1000x64xf32, #tpu.memory_space<vmem_shared>>
        tpu.wait_dma2 semaphore(%run_scoped3A_146 : memref<!tpu.dma_semaphore, #tpu.memory_space<semaphore_mem>>) src(%dma_wait3A_156 : memref<1000x64xf32, #tpu.memory_space<vmem_shared>>) dst(%dma_wait3A_154 : memref<1000x64xf32, #tpu.memory_space<hbm>>)
        tpu.yield
      }) : () -> ()
    } else {
    }
    return
  }
}

#map = affine_map<(d0, d1) -> (0, 0)>
module attributes {stable_mosaic.version = 14 : i64} {
  func.func @deg_kernel(%arg0: i32, %arg1: i32, %arg2: memref<2x320000xi32, #tpu.memory_space<hbm>>, %arg3: memref<32x10000xf32, #tpu.memory_space<hbm>>, %arg4: memref<10000xi32, #tpu.memory_space<vmem>>, %arg5: memref<10000xf32, #tpu.memory_space<vmem>>) attributes {dimension_semantics = [#tpu.dimension_semantics<core_parallel>, #tpu.dimension_semantics<subcore_parallel>], iteration_bounds = array<i64: 2, 16>, scalar_prefetch = 0 : i64, scratch_operands = 2 : i64, tpu.core_type = #tpu.core_type<sc_vector_subcore>, window_params = [{transform_indices = #map}, {transform_indices = #map}]} {
    %mul3A = arith.constant 16 : i32
    %mul3A_0 = arith.muli %arg0, %mul3A : i32
    %add3A = arith.addi %mul3A_0, %arg1 : i32
    %broadcast_in_dim3A = arith.constant 0.000000e+00 : f32
    %broadcast_in_dim3A_1 = vector.broadcast %broadcast_in_dim3A : f32 to vector<16xf32>
    %scan3A = arith.constant 0 : i32
    %scan3A_2 = arith.constant 0 : i32
    %scan3A_3 = arith.constant 625 : i32
    %scan3A_4 = arith.addi %scan3A_2, %scan3A_3 : i32
    %scan3A_5 = arith.constant 1 : i32
    scf.for %scan3A_17 = %scan3A_2 to %scan3A_4 step %scan3A_5  : i32 {
      %mul3A_18 = arith.constant 16 : i32
      %mul3A_19 = arith.muli %scan3A_17, %mul3A_18 : i32
      %swap3A = arith.index_cast %mul3A_19 : i32 to index
      %swap3A_20 = tpu.vector_load %arg5[%swap3A] {strides = array<i32>} : memref<10000xf32, #tpu.memory_space<vmem>>, vector<16xf32>,
      tpu.vector_store %arg5[%swap3A], %broadcast_in_dim3A_1 {strides = array<i32>} : memref<10000xf32, #tpu.memory_space<vmem>>, vector<16xf32>,
    }
    %scan3A_6 = arith.constant 625 : i32
    %mul3A_7 = arith.constant 10000 : i32
    %mul3A_8 = arith.muli %add3A, %mul3A_7 : i32
    %run_scoped3A = arith.constant 1 : i32
    "tpu.region"() ({
      %run_scoped3A_17 = tpu.sem_alloc : memref<!tpu.dma_semaphore, #tpu.memory_space<semaphore_mem>>
      %dma_start3A = tpu.memref_slice %arg2[%run_scoped3A, %mul3A_8] : memref<2x320000xi32, #tpu.memory_space<hbm>> -> memref<1x10000xi32, #tpu.memory_space<hbm>>
      %dma_start3A_18 = tpu.memref_squeeze %dma_start3A : memref<1x10000xi32, #tpu.memory_space<hbm>> -> memref<10000xi32, #tpu.memory_space<hbm>>
      %dma_start3A_19 = tpu.memref_slice %arg2[%run_scoped3A, %mul3A_8] : memref<2x320000xi32, #tpu.memory_space<hbm>> -> memref<1x10000xi32, #tpu.memory_space<hbm>>
      %dma_start3A_20 = tpu.memref_squeeze %dma_start3A_19 : memref<1x10000xi32, #tpu.memory_space<hbm>> -> memref<10000xi32, #tpu.memory_space<hbm>>
      tpu.enqueue_dma source(%dma_start3A_20 : memref<10000xi32, #tpu.memory_space<hbm>>) target(%arg4 : memref<10000xi32, #tpu.memory_space<vmem>>) target_semaphore(%run_scoped3A_17 : memref<!tpu.dma_semaphore, #tpu.memory_space<semaphore_mem>>)
      %dma_wait3A = tpu.memref_slice %arg2[%run_scoped3A, %mul3A_8] : memref<2x320000xi32, #tpu.memory_space<hbm>> -> memref<1x10000xi32, #tpu.memory_space<hbm>>
      %dma_wait3A_21 = tpu.memref_squeeze %dma_wait3A : memref<1x10000xi32, #tpu.memory_space<hbm>> -> memref<10000xi32, #tpu.memory_space<hbm>>
      %dma_wait3A_22 = tpu.memref_slice %arg2[%run_scoped3A, %mul3A_8] : memref<2x320000xi32, #tpu.memory_space<hbm>> -> memref<1x10000xi32, #tpu.memory_space<hbm>>
      %dma_wait3A_23 = tpu.memref_squeeze %dma_wait3A_22 : memref<1x10000xi32, #tpu.memory_space<hbm>> -> memref<10000xi32, #tpu.memory_space<hbm>>
      tpu.wait_dma2 semaphore(%run_scoped3A_17 : memref<!tpu.dma_semaphore, #tpu.memory_space<semaphore_mem>>) src(%dma_wait3A_23 : memref<10000xi32, #tpu.memory_space<hbm>>) dst(%arg4 : memref<10000xi32, #tpu.memory_space<vmem>>)
      tpu.yield
    }) : () -> ()
    %broadcast_in_dim3A_9 = arith.constant 1.000000e+00 : f32
    %broadcast_in_dim3A_10 = vector.broadcast %broadcast_in_dim3A_9 : f32 to vector<16xf32>
    %scan3A_11 = arith.constant 0 : i32
    %scan3A_12 = arith.constant 0 : i32
    %scan3A_13 = arith.constant 625 : i32
    %scan3A_14 = arith.addi %scan3A_12, %scan3A_13 : i32
    %scan3A_15 = arith.constant 1 : i32
    scf.for %scan3A_17 = %scan3A_12 to %scan3A_14 step %scan3A_15  : i32 {
      %mul3A_18 = arith.constant 16 : i32
      %mul3A_19 = arith.muli %scan3A_17, %mul3A_18 : i32
      %get3A = arith.index_cast %mul3A_19 : i32 to index
      %get3A_20 = tpu.vector_load %arg4[%get3A] {strides = array<i32>} : memref<10000xi32, #tpu.memory_space<vmem>>, vector<16xi32>,
      tpu.vector_store_idx %arg5[%get3A_20], %broadcast_in_dim3A_10 {add = true} : memref<10000xf32, #tpu.memory_space<vmem>>[vector<16xi32>], vector<16xf32>,
    }
    %scan3A_16 = arith.constant 625 : i32
    "tpu.region"() ({
      %run_scoped3A_17 = tpu.sem_alloc : memref<!tpu.dma_semaphore, #tpu.memory_space<semaphore_mem>>
      %dma_start3A = arith.constant 0 : i32
      %dma_start3A_18 = tpu.memref_slice %arg3[%add3A, %dma_start3A] : memref<32x10000xf32, #tpu.memory_space<hbm>> -> memref<1x10000xf32, #tpu.memory_space<hbm>>
      %dma_start3A_19 = tpu.memref_squeeze %dma_start3A_18 : memref<1x10000xf32, #tpu.memory_space<hbm>> -> memref<10000xf32, #tpu.memory_space<hbm>>
      %dma_start3A_20 = arith.constant 0 : i32
      %dma_start3A_21 = tpu.memref_slice %arg3[%add3A, %dma_start3A_20] : memref<32x10000xf32, #tpu.memory_space<hbm>> -> memref<1x10000xf32, #tpu.memory_space<hbm>>
      %dma_start3A_22 = tpu.memref_squeeze %dma_start3A_21 : memref<1x10000xf32, #tpu.memory_space<hbm>> -> memref<10000xf32, #tpu.memory_space<hbm>>
      tpu.enqueue_dma source(%arg5 : memref<10000xf32, #tpu.memory_space<vmem>>) target(%dma_start3A_22 : memref<10000xf32, #tpu.memory_space<hbm>>) target_semaphore(%run_scoped3A_17 : memref<!tpu.dma_semaphore, #tpu.memory_space<semaphore_mem>>)
      %dma_wait3A = arith.constant 0 : i32
      %dma_wait3A_23 = tpu.memref_slice %arg3[%add3A, %dma_wait3A] : memref<32x10000xf32, #tpu.memory_space<hbm>> -> memref<1x10000xf32, #tpu.memory_space<hbm>>
      %dma_wait3A_24 = tpu.memref_squeeze %dma_wait3A_23 : memref<1x10000xf32, #tpu.memory_space<hbm>> -> memref<10000xf32, #tpu.memory_space<hbm>>
      %dma_wait3A_25 = arith.constant 0 : i32
      %dma_wait3A_26 = tpu.memref_slice %arg3[%add3A, %dma_wait3A_25] : memref<32x10000xf32, #tpu.memory_space<hbm>> -> memref<1x10000xf32, #tpu.memory_space<hbm>>
      %dma_wait3A_27 = tpu.memref_squeeze %dma_wait3A_26 : memref<1x10000xf32, #tpu.memory_space<hbm>> -> memref<10000xf32, #tpu.memory_space<hbm>>
      tpu.wait_dma2 semaphore(%run_scoped3A_17 : memref<!tpu.dma_semaphore, #tpu.memory_space<semaphore_mem>>) src(%arg5 : memref<10000xf32, #tpu.memory_space<vmem>>) dst(%dma_wait3A_27 : memref<10000xf32, #tpu.memory_space<hbm>>)
      tpu.yield
    }) : () -> ()
    return
  }
}

module attributes {stable_mosaic.version = 14 : i64} {
  func.func @_hs_body(%arg0: memref<10000x128xf32, #tpu.memory_space<vmem>>, %arg1: memref<64x128xf32, #tpu.memory_space<vmem>>, %arg2: memref<32x10000xf32, #tpu.memory_space<vmem>>, %arg3: memref<10000x64xf32, #tpu.memory_space<vmem>>, %arg4: memref<10000x64xf32, #tpu.memory_space<vmem>>) attributes {dimension_semantics = [], scalar_prefetch = 0 : i64, scratch_operands = 0 : i64, tpu.core_type = #tpu.core_type<tc>} {
    %broadcast_in_dim3A = arith.constant 1.000000e+00 : f32
    %broadcast_in_dim3A_0 = vector.broadcast %broadcast_in_dim3A : f32 to vector<32x64xf32>
    %get3A = arith.constant 0 : index
    %get3A_1 = arith.constant 0 : index
    %get3A_2 = vector.load %arg2[%get3A, %get3A_1] : memref<32x10000xf32, #tpu.memory_space<vmem>>, vector<32x10000xf32>
    %dot_general3A = arith.constant dense<0.000000e+00> : vector<10000x64xf32>
    %dot_general3A_3 = tpu.matmul %get3A_2, %broadcast_in_dim3A_0, %dot_general3A {dimension_numbers = #tpu.dot_dimension_numbers<[0], [0], [1], [1], [0, 1, 1, 1], [], []>, transpose_lhs_hint = false} : vector<32x10000xf32>, vector<32x64xf32>, vector<10000x64xf32> -> vector<10000x64xf32>
    %add3A = arith.constant 1.000000e+00 : f32
    %add3A_4 = vector.broadcast %add3A : f32 to vector<10000x64xf32>
    %add3A_5 = arith.addf %dot_general3A_3, %add3A_4 : vector<10000x64xf32>
    %rsqrt3A = math.rsqrt %add3A_5 : vector<10000x64xf32>
    %get3A_6 = arith.constant 0 : index
    %get3A_7 = arith.constant 0 : index
    %get3A_8 = vector.load %arg0[%get3A_6, %get3A_7] : memref<10000x128xf32, #tpu.memory_space<vmem>>, vector<10000x128xf32>
    %get3A_9 = arith.constant 0 : index
    %get3A_10 = arith.constant 0 : index
    %get3A_11 = vector.load %arg1[%get3A_9, %get3A_10] : memref<64x128xf32, #tpu.memory_space<vmem>>, vector<64x128xf32>
    %dot_general3A_12 = arith.constant dense<0.000000e+00> : vector<10000x64xf32>
    %dot_general3A_13 = tpu.matmul %get3A_8, %get3A_11, %dot_general3A_12 {dimension_numbers = #tpu.dot_dimension_numbers<[1], [1], [0], [0], [0, 0, 1, 0], [], []>, transpose_lhs_hint = false} : vector<10000x128xf32>, vector<64x128xf32>, vector<10000x64xf32> -> vector<10000x64xf32>
    %mul3A = arith.mulf %dot_general3A_13, %rsqrt3A : vector<10000x64xf32>
    %swap3A = arith.constant 0 : index
    %swap3A_14 = arith.constant 0 : index
    %swap3A_15 = vector.load %arg3[%swap3A, %swap3A_14] : memref<10000x64xf32, #tpu.memory_space<vmem>>, vector<10000x64xf32>
    tpu.vector_store %arg3[%swap3A, %swap3A_14], %mul3A {strides = array<i32>} : memref<10000x64xf32, #tpu.memory_space<vmem>>, vector<10000x64xf32>,
    %swap3A_16 = arith.constant 0 : index
    %swap3A_17 = arith.constant 0 : index
    %swap3A_18 = vector.load %arg4[%swap3A_16, %swap3A_17] : memref<10000x64xf32, #tpu.memory_space<vmem>>, vector<10000x64xf32>
    tpu.vector_store %arg4[%swap3A_16, %swap3A_17], %rsqrt3A {strides = array<i32>} : memref<10000x64xf32, #tpu.memory_space<vmem>>, vector<10000x64xf32>,
    return
  }
}

module attributes {stable_mosaic.version = 14 : i64} {
  func.func @_mlp_body(%arg0: i32, %arg1: memref<2x2000x64xf32, #tpu.memory_space<vmem>>, %arg2: memref<2000x64xf32, #tpu.memory_space<vmem>>, %arg3: memref<2000x64xf32, #tpu.memory_space<vmem>>, %arg4: memref<1x64xf32, #tpu.memory_space<vmem>>, %arg5: memref<12x64xf32, #tpu.memory_space<vmem>>, %arg6: memref<32x64xf32, #tpu.memory_space<vmem>>, %arg7: memref<8x32x64xf32, #tpu.memory_space<vmem>>, %arg8: memref<32x64xf32, #tpu.memory_space<vmem>>, %arg9: memref<12x32xf32, #tpu.memory_space<vmem>>, %arg10: memref<1x32xf32, #tpu.memory_space<vmem>>, %arg11: memref<8x1x32xf32, #tpu.memory_space<vmem>>, %arg12: memref<1x32xf32, #tpu.memory_space<vmem>>, %arg13: memref<1x1x2000xf32, #tpu.memory_space<vmem>>) attributes {dimension_semantics = [#tpu.dimension_semantics<arbitrary>], iteration_bounds = array<i64: 5>, scalar_prefetch = 0 : i64, scratch_operands = 0 : i64, tpu.core_type = #tpu.core_type<tc>, window_params = [{transform_indices = @transform_0, window_bounds = array<i64: 2, 2000, 64>}, {transform_indices = @transform_1, window_bounds = array<i64: 2000, 64>}, {transform_indices = @transform_2, window_bounds = array<i64: 2000, 64>}, {pipeline_mode = #tpu.pipeline_mode<synchronous>, transform_indices = @transform_3, window_bounds = array<i64: 1, 64>}, {pipeline_mode = #tpu.pipeline_mode<synchronous>, transform_indices = @transform_4, window_bounds = array<i64: 12, 64>}, {pipeline_mode = #tpu.pipeline_mode<synchronous>, transform_indices = @transform_5, window_bounds = array<i64: 32, 64>}, {pipeline_mode = #tpu.pipeline_mode<synchronous>, transform_indices = @transform_6, window_bounds = array<i64: 8, 32, 64>}, {pipeline_mode = #tpu.pipeline_mode<synchronous>, transform_indices = @transform_7, window_bounds = array<i64: 32, 64>}, {pipeline_mode = #tpu.pipeline_mode<synchronous>, transform_indices = @transform_8, window_bounds = array<i64: 12, 32>}, {pipeline_mode = #tpu.pipeline_mode<synchronous>, transform_indices = @transform_9, window_bounds = array<i64: 1, 32>}, {pipeline_mode = #tpu.pipeline_mode<synchronous>, transform_indices = @transform_10, window_bounds = array<i64: 8, 1, 32>}, {pipeline_mode = #tpu.pipeline_mode<synchronous>, transform_indices = @transform_11, window_bounds = array<i64: 1, 32>}, {transform_indices = @transform_12, window_bounds = array<i64: 1, 1, 2000>}]} {
    %get3A = arith.constant 0 : index
    %get3A_0 = arith.constant 0 : index
    %get3A_1 = arith.constant 0 : index
    %get3A_2 = vector.load %arg1[%get3A, %get3A_0, %get3A_1] : memref<2x2000x64xf32, #tpu.memory_space<vmem>>, vector<1x2000x64xf32>
    %get3A_3 = vector.shape_cast %get3A_2 : vector<1x2000x64xf32> to vector<2000x64xf32>
    %get3A_4 = arith.constant 1 : index
    %get3A_5 = arith.constant 0 : index
    %get3A_6 = arith.constant 0 : index
    %get3A_7 = vector.load %arg1[%get3A_4, %get3A_5, %get3A_6] : memref<2x2000x64xf32, #tpu.memory_space<vmem>>, vector<1x2000x64xf32>
    %get3A_8 = vector.shape_cast %get3A_7 : vector<1x2000x64xf32> to vector<2000x64xf32>
    %add3A = arith.addf %get3A_3, %get3A_8 : vector<2000x64xf32>
    %get3A_9 = arith.constant 0 : index
    %get3A_10 = arith.constant 0 : index
    %get3A_11 = vector.load %arg2[%get3A_9, %get3A_10] : memref<2000x64xf32, #tpu.memory_space<vmem>>, vector<2000x64xf32>
    %sub3A = arith.subf %add3A, %get3A_11 : vector<2000x64xf32>
    %get3A_12 = arith.constant 0 : index
    %get3A_13 = arith.constant 0 : index
    %get3A_14 = vector.load %arg3[%get3A_12, %get3A_13] : memref<2000x64xf32, #tpu.memory_space<vmem>>, vector<2000x64xf32>
    %mul3A = arith.mulf %sub3A, %get3A_14 : vector<2000x64xf32>
    %get3A_15 = arith.constant 0 : index
    %get3A_16 = arith.constant 0 : index
    %get3A_17 = vector.load %arg4[%get3A_15, %get3A_16] : memref<1x64xf32, #tpu.memory_space<vmem>>, vector<1x64xf32>
    %add3A_18 = vector.broadcast %get3A_17 : vector<1x64xf32> to vector<2000x64xf32>
    %add3A_19 = arith.addf %mul3A, %add3A_18 : vector<2000x64xf32>
    %max3A = arith.constant 0.000000e+00 : f32
    %max3A_20 = vector.broadcast %max3A : f32 to vector<2000x64xf32>
    %max3A_21 = arith.maximumf %add3A_19, %max3A_20 : vector<2000x64xf32>
    %transpose3A = tpu.transpose %max3A_21, [1, 0] : vector<2000x64xf32> -> vector<64x2000xf32>
    %get3A_22 = arith.constant 0 : index
    %get3A_23 = arith.constant 0 : index
    %get3A_24 = vector.load %arg5[%get3A_22, %get3A_23] : memref<12x64xf32, #tpu.memory_space<vmem>>, vector<12x64xf32>
    %get3A_25 = arith.constant 0 : index
    %get3A_26 = arith.constant 0 : index
    %get3A_27 = vector.load %arg6[%get3A_25, %get3A_26] : memref<32x64xf32, #tpu.memory_space<vmem>>, vector<32x64xf32>
    %get3A_28 = arith.constant 0 : index
    %get3A_29 = arith.constant 0 : index
    %get3A_30 = arith.constant 0 : index
    %get3A_31 = vector.load %arg7[%get3A_28, %get3A_29, %get3A_30] : memref<8x32x64xf32, #tpu.memory_space<vmem>>, vector<8x32x64xf32>
    %get3A_32 = arith.constant 0 : index
    %get3A_33 = arith.constant 0 : index
    %get3A_34 = vector.load %arg8[%get3A_32, %get3A_33] : memref<32x64xf32, #tpu.memory_space<vmem>>, vector<32x64xf32>
    %slice3A = vector.extract_strided_slice %get3A_24 {offsets = [0, 0], sizes = [1, 64], strides = [1, 1]} : vector<12x64xf32> to vector<1x64xf32>
    %squeeze3A = vector.shape_cast %slice3A : vector<1x64xf32> to vector<64xf32>
    %broadcast_in_dim3A = vector.shape_cast %squeeze3A : vector<64xf32> to vector<64x1xf32>
    %slice3A_35 = vector.extract_strided_slice %get3A_24 {offsets = [1, 0], sizes = [1, 64], strides = [1, 1]} : vector<12x64xf32> to vector<1x64xf32>
    %squeeze3A_36 = vector.shape_cast %slice3A_35 : vector<1x64xf32> to vector<64xf32>
    %broadcast_in_dim3A_37 = vector.shape_cast %squeeze3A_36 : vector<64xf32> to vector<64x1xf32>
    %sub3A_38 = arith.subf %broadcast_in_dim3A_37, %broadcast_in_dim3A : vector<64x1xf32>
    %sub3A_39 = vector.broadcast %broadcast_in_dim3A : vector<64x1xf32> to vector<64x2000xf32>
    %sub3A_40 = arith.subf %transpose3A, %sub3A_39 : vector<64x2000xf32>
    %div3A = vector.broadcast %sub3A_38 : vector<64x1xf32> to vector<64x2000xf32>
    %div3A_41 = arith.divf %sub3A_40, %div3A : vector<64x2000xf32>
    %floor3A = math.floor %div3A_41 : vector<64x2000xf32>
    %sub3A_42 = arith.subf %div3A_41, %floor3A : vector<64x2000xf32>
    %mul3A_43 = arith.mulf %sub3A_42, %sub3A_42 : vector<64x2000xf32>
    %mul3A_44 = arith.mulf %mul3A_43, %sub3A_42 : vector<64x2000xf32>
    %mul3A_45 = arith.constant -3.000000e+00 : f32
    %mul3A_46 = vector.broadcast %mul3A_45 : f32 to vector<64x2000xf32>
    %mul3A_47 = arith.mulf %mul3A_46, %sub3A_42 : vector<64x2000xf32>
    %add3A_48 = arith.constant 3.000000e+00 : f32
    %add3A_49 = vector.broadcast %add3A_48 : f32 to vector<64x2000xf32>
    %add3A_50 = arith.addf %mul3A_47, %add3A_49 : vector<64x2000xf32>
    %mul3A_51 = arith.mulf %add3A_50, %sub3A_42 : vector<64x2000xf32>
    %add3A_52 = arith.constant 3.000000e+00 : f32
    %add3A_53 = vector.broadcast %add3A_52 : f32 to vector<64x2000xf32>
    %add3A_54 = arith.addf %mul3A_51, %add3A_53 : vector<64x2000xf32>
    %mul3A_55 = arith.mulf %add3A_54, %sub3A_42 : vector<64x2000xf32>
    %add3A_56 = arith.constant 1.000000e+00 : f32
    %add3A_57 = vector.broadcast %add3A_56 : f32 to vector<64x2000xf32>
    %add3A_58 = arith.addf %mul3A_55, %add3A_57 : vector<64x2000xf32>
    %mul3A_59 = arith.constant 3.000000e+00 : f32
    %mul3A_60 = vector.broadcast %mul3A_59 : f32 to vector<64x2000xf32>
    %mul3A_61 = arith.mulf %mul3A_60, %sub3A_42 : vector<64x2000xf32>
    %sub3A_62 = arith.constant 6.000000e+00 : f32
    %sub3A_63 = vector.broadcast %sub3A_62 : f32 to vector<64x2000xf32>
    %sub3A_64 = arith.subf %mul3A_61, %sub3A_63 : vector<64x2000xf32>
    %mul3A_65 = arith.mulf %sub3A_64, %sub3A_42 : vector<64x2000xf32>
    %mul3A_66 = arith.mulf %mul3A_65, %sub3A_42 : vector<64x2000xf32>
    %add3A_67 = arith.constant 4.000000e+00 : f32
    %add3A_68 = vector.broadcast %add3A_67 : f32 to vector<64x2000xf32>
    %add3A_69 = arith.addf %mul3A_66, %add3A_68 : vector<64x2000xf32>
    %neg3A = arith.constant 0.000000e+00 : f32
    %neg3A_70 = vector.broadcast %neg3A : f32 to vector<64x2000xf32>
    %neg3A_71 = arith.subf %neg3A_70, %sub3A_42 : vector<64x2000xf32>
    %add3A_72 = arith.constant 3.000000e+00 : f32
    %add3A_73 = vector.broadcast %add3A_72 : f32 to vector<64x2000xf32>
    %add3A_74 = arith.addf %neg3A_71, %add3A_73 : vector<64x2000xf32>
    %mul3A_75 = arith.mulf %add3A_74, %sub3A_42 : vector<64x2000xf32>
    %sub3A_76 = arith.constant 3.000000e+00 : f32
    %sub3A_77 = vector.broadcast %sub3A_76 : f32 to vector<64x2000xf32>
    %sub3A_78 = arith.subf %mul3A_75, %sub3A_77 : vector<64x2000xf32>
    %mul3A_79 = arith.mulf %sub3A_78, %sub3A_42 : vector<64x2000xf32>
    %add3A_80 = arith.constant 1.000000e+00 : f32
    %add3A_81 = vector.broadcast %add3A_80 : f32 to vector<64x2000xf32>
    %add3A_82 = arith.addf %mul3A_79, %add3A_81 : vector<64x2000xf32>
    %logistic3A = arith.negf %transpose3A : vector<64x2000xf32>
    %logistic3A_83 = math.exp %logistic3A : vector<64x2000xf32>
    %logistic3A_84 = arith.constant 1.000000e+00 : f32
    %logistic3A_85 = vector.broadcast %logistic3A_84 : f32 to vector<64x2000xf32>
    %logistic3A_86 = arith.addf %logistic3A_85, %logistic3A_83 : vector<64x2000xf32>
    %logistic3A_87 = arith.divf %logistic3A_85, %logistic3A_86 : vector<64x2000xf32>
    %mul3A_88 = arith.mulf %transpose3A, %logistic3A_87 : vector<64x2000xf32>
    %dot_general3A = arith.constant dense<0.000000e+00> : vector<32x2000xf32>
    %dot_general3A_89 = tpu.matmul %get3A_27, %mul3A_88, %dot_general3A {dimension_numbers = #tpu.dot_dimension_numbers<[1], [0], [0], [1], [0, 0, 1, 1], [], []>, transpose_lhs_hint = false} : vector<32x64xf32>, vector<64x2000xf32>, vector<32x2000xf32> -> vector<32x2000xf32>
    %sub3A_90 = arith.constant 0.000000e+00 : f32
    %sub3A_91 = vector.broadcast %sub3A_90 : f32 to vector<64x2000xf32>
    %sub3A_92 = arith.subf %floor3A, %sub3A_91 : vector<64x2000xf32>
    %eq3A = arith.constant 0.000000e+00 : f32
    %eq3A_93 = vector.broadcast %eq3A : f32 to vector<64x2000xf32>
    %eq3A_94 = arith.cmpf oeq, %sub3A_92, %eq3A_93 : vector<64x2000xf32>
    %eq3A_95 = arith.constant 1.000000e+00 : f32
    %eq3A_96 = vector.broadcast %eq3A_95 : f32 to vector<64x2000xf32>
    %eq3A_97 = arith.cmpf oeq, %sub3A_92, %eq3A_96 : vector<64x2000xf32>
    %eq3A_98 = arith.constant 2.000000e+00 : f32
    %eq3A_99 = vector.broadcast %eq3A_98 : f32 to vector<64x2000xf32>
    %eq3A_100 = arith.cmpf oeq, %sub3A_92, %eq3A_99 : vector<64x2000xf32>
    %eq3A_101 = arith.constant 3.000000e+00 : f32
    %eq3A_102 = vector.broadcast %eq3A_101 : f32 to vector<64x2000xf32>
    %eq3A_103 = arith.cmpf oeq, %sub3A_92, %eq3A_102 : vector<64x2000xf32>
    %jit3A = arith.constant 0.000000e+00 : f32
    %broadcast_in_dim3A_104 = vector.broadcast %jit3A : f32 to vector<64x2000xf32>
    %select_n3A = arith.select %eq3A_103, %add3A_82, %broadcast_in_dim3A_104 : vector<64x2000xi1>, vector<64x2000xf32>
    %select_n3A_105 = arith.select %eq3A_100, %add3A_69, %select_n3A : vector<64x2000xi1>, vector<64x2000xf32>
    %select_n3A_106 = arith.select %eq3A_97, %add3A_58, %select_n3A_105 : vector<64x2000xi1>, vector<64x2000xf32>
    %select_n3A_107 = arith.select %eq3A_94, %mul3A_44, %select_n3A_106 : vector<64x2000xi1>, vector<64x2000xf32>
    %slice3A_108 = vector.extract_strided_slice %get3A_31 {offsets = [0, 0, 0], sizes = [1, 32, 64], strides = [1, 1, 1]} : vector<8x32x64xf32> to vector<1x32x64xf32>
    %squeeze3A_109 = vector.shape_cast %slice3A_108 : vector<1x32x64xf32> to vector<32x64xf32>
    %mul3A_110 = arith.constant 0.166666672 : f32
    %mul3A_111 = vector.broadcast %mul3A_110 : f32 to vector<32x64xf32>
    %mul3A_112 = arith.mulf %get3A_34, %mul3A_111 : vector<32x64xf32>
    %mul3A_113 = arith.mulf %squeeze3A_109, %mul3A_112 : vector<32x64xf32>
    %dot_general3A_114 = arith.constant dense<0.000000e+00> : vector<32x2000xf32>
    %dot_general3A_115 = tpu.matmul %mul3A_113, %select_n3A_107, %dot_general3A_114 {dimension_numbers = #tpu.dot_dimension_numbers<[1], [0], [0], [1], [0, 0, 1, 1], [], []>, transpose_lhs_hint = false} : vector<32x64xf32>, vector<64x2000xf32>, vector<32x2000xf32> -> vector<32x2000xf32>
    %add3A_116 = arith.addf %dot_general3A_89, %dot_general3A_115 : vector<32x2000xf32>
    %sub3A_117 = arith.constant 1.000000e+00 : f32
    %sub3A_118 = vector.broadcast %sub3A_117 : f32 to vector<64x2000xf32>
    %sub3A_119 = arith.subf %floor3A, %sub3A_118 : vector<64x2000xf32>
    %eq3A_120 = arith.constant 0.000000e+00 : f32
    %eq3A_121 = vector.broadcast %eq3A_120 : f32 to vector<64x2000xf32>
    %eq3A_122 = arith.cmpf oeq, %sub3A_119, %eq3A_121 : vector<64x2000xf32>
    %eq3A_123 = arith.constant 1.000000e+00 : f32
    %eq3A_124 = vector.broadcast %eq3A_123 : f32 to vector<64x2000xf32>
    %eq3A_125 = arith.cmpf oeq, %sub3A_119, %eq3A_124 : vector<64x2000xf32>
    %eq3A_126 = arith.constant 2.000000e+00 : f32
    %eq3A_127 = vector.broadcast %eq3A_126 : f32 to vector<64x2000xf32>
    %eq3A_128 = arith.cmpf oeq, %sub3A_119, %eq3A_127 : vector<64x2000xf32>
    %eq3A_129 = arith.constant 3.000000e+00 : f32
    %eq3A_130 = vector.broadcast %eq3A_129 : f32 to vector<64x2000xf32>
    %eq3A_131 = arith.cmpf oeq, %sub3A_119, %eq3A_130 : vector<64x2000xf32>
    %jit3A_132 = arith.constant 0.000000e+00 : f32
    %broadcast_in_dim3A_133 = vector.broadcast %jit3A_132 : f32 to vector<64x2000xf32>
    %select_n3A_134 = arith.select %eq3A_131, %add3A_82, %broadcast_in_dim3A_133 : vector<64x2000xi1>, vector<64x2000xf32>
    %select_n3A_135 = arith.select %eq3A_128, %add3A_69, %select_n3A_134 : vector<64x2000xi1>, vector<64x2000xf32>
    %select_n3A_136 = arith.select %eq3A_125, %add3A_58, %select_n3A_135 : vector<64x2000xi1>, vector<64x2000xf32>
    %select_n3A_137 = arith.select %eq3A_122, %mul3A_44, %select_n3A_136 : vector<64x2000xi1>, vector<64x2000xf32>
    %slice3A_138 = vector.extract_strided_slice %get3A_31 {offsets = [1, 0, 0], sizes = [1, 32, 64], strides = [1, 1, 1]} : vector<8x32x64xf32> to vector<1x32x64xf32>
    %squeeze3A_139 = vector.shape_cast %slice3A_138 : vector<1x32x64xf32> to vector<32x64xf32>
    %mul3A_140 = arith.constant 0.166666672 : f32
    %mul3A_141 = vector.broadcast %mul3A_140 : f32 to vector<32x64xf32>
    %mul3A_142 = arith.mulf %get3A_34, %mul3A_141 : vector<32x64xf32>
    %mul3A_143 = arith.mulf %squeeze3A_139, %mul3A_142 : vector<32x64xf32>
    %dot_general3A_144 = arith.constant dense<0.000000e+00> : vector<32x2000xf32>
    %dot_general3A_145 = tpu.matmul %mul3A_143, %select_n3A_137, %dot_general3A_144 {dimension_numbers = #tpu.dot_dimension_numbers<[1], [0], [0], [1], [0, 0, 1, 1], [], []>, transpose_lhs_hint = false} : vector<32x64xf32>, vector<64x2000xf32>, vector<32x2000xf32> -> vector<32x2000xf32>
    %add3A_146 = arith.addf %add3A_116, %dot_general3A_145 : vector<32x2000xf32>
    %sub3A_147 = arith.constant 2.000000e+00 : f32
    %sub3A_148 = vector.broadcast %sub3A_147 : f32 to vector<64x2000xf32>
    %sub3A_149 = arith.subf %floor3A, %sub3A_148 : vector<64x2000xf32>
    %eq3A_150 = arith.constant 0.000000e+00 : f32
    %eq3A_151 = vector.broadcast %eq3A_150 : f32 to vector<64x2000xf32>
    %eq3A_152 = arith.cmpf oeq, %sub3A_149, %eq3A_151 : vector<64x2000xf32>
    %eq3A_153 = arith.constant 1.000000e+00 : f32
    %eq3A_154 = vector.broadcast %eq3A_153 : f32 to vector<64x2000xf32>
    %eq3A_155 = arith.cmpf oeq, %sub3A_149, %eq3A_154 : vector<64x2000xf32>
    %eq3A_156 = arith.constant 2.000000e+00 : f32
    %eq3A_157 = vector.broadcast %eq3A_156 : f32 to vector<64x2000xf32>
    %eq3A_158 = arith.cmpf oeq, %sub3A_149, %eq3A_157 : vector<64x2000xf32>
    %eq3A_159 = arith.constant 3.000000e+00 : f32
    %eq3A_160 = vector.broadcast %eq3A_159 : f32 to vector<64x2000xf32>
    %eq3A_161 = arith.cmpf oeq, %sub3A_149, %eq3A_160 : vector<64x2000xf32>
    %jit3A_162 = arith.constant 0.000000e+00 : f32
    %broadcast_in_dim3A_163 = vector.broadcast %jit3A_162 : f32 to vector<64x2000xf32>
    %select_n3A_164 = arith.select %eq3A_161, %add3A_82, %broadcast_in_dim3A_163 : vector<64x2000xi1>, vector<64x2000xf32>
    %select_n3A_165 = arith.select %eq3A_158, %add3A_69, %select_n3A_164 : vector<64x2000xi1>, vector<64x2000xf32>
    %select_n3A_166 = arith.select %eq3A_155, %add3A_58, %select_n3A_165 : vector<64x2000xi1>, vector<64x2000xf32>
    %select_n3A_167 = arith.select %eq3A_152, %mul3A_44, %select_n3A_166 : vector<64x2000xi1>, vector<64x2000xf32>
    %slice3A_168 = vector.extract_strided_slice %get3A_31 {offsets = [2, 0, 0], sizes = [1, 32, 64], strides = [1, 1, 1]} : vector<8x32x64xf32> to vector<1x32x64xf32>
    %squeeze3A_169 = vector.shape_cast %slice3A_168 : vector<1x32x64xf32> to vector<32x64xf32>
    %mul3A_170 = arith.constant 0.166666672 : f32
    %mul3A_171 = vector.broadcast %mul3A_170 : f32 to vector<32x64xf32>
    %mul3A_172 = arith.mulf %get3A_34, %mul3A_171 : vector<32x64xf32>
    %mul3A_173 = arith.mulf %squeeze3A_169, %mul3A_172 : vector<32x64xf32>
    %dot_general3A_174 = arith.constant dense<0.000000e+00> : vector<32x2000xf32>
    %dot_general3A_175 = tpu.matmul %mul3A_173, %select_n3A_167, %dot_general3A_174 {dimension_numbers = #tpu.dot_dimension_numbers<[1], [0], [0], [1], [0, 0, 1, 1], [], []>, transpose_lhs_hint = false} : vector<32x64xf32>, vector<64x2000xf32>, vector<32x2000xf32> -> vector<32x2000xf32>
    %add3A_176 = arith.addf %add3A_146, %dot_general3A_175 : vector<32x2000xf32>
    %sub3A_177 = arith.constant 3.000000e+00 : f32
    %sub3A_178 = vector.broadcast %sub3A_177 : f32 to vector<64x2000xf32>
    %sub3A_179 = arith.subf %floor3A, %sub3A_178 : vector<64x2000xf32>
    %eq3A_180 = arith.constant 0.000000e+00 : f32
    %eq3A_181 = vector.broadcast %eq3A_180 : f32 to vector<64x2000xf32>
    %eq3A_182 = arith.cmpf oeq, %sub3A_179, %eq3A_181 : vector<64x2000xf32>
    %eq3A_183 = arith.constant 1.000000e+00 : f32
    %eq3A_184 = vector.broadcast %eq3A_183 : f32 to vector<64x2000xf32>
    %eq3A_185 = arith.cmpf oeq, %sub3A_179, %eq3A_184 : vector<64x2000xf32>
    %eq3A_186 = arith.constant 2.000000e+00 : f32
    %eq3A_187 = vector.broadcast %eq3A_186 : f32 to vector<64x2000xf32>
    %eq3A_188 = arith.cmpf oeq, %sub3A_179, %eq3A_187 : vector<64x2000xf32>
    %eq3A_189 = arith.constant 3.000000e+00 : f32
    %eq3A_190 = vector.broadcast %eq3A_189 : f32 to vector<64x2000xf32>
    %eq3A_191 = arith.cmpf oeq, %sub3A_179, %eq3A_190 : vector<64x2000xf32>
    %jit3A_192 = arith.constant 0.000000e+00 : f32
    %broadcast_in_dim3A_193 = vector.broadcast %jit3A_192 : f32 to vector<64x2000xf32>
    %select_n3A_194 = arith.select %eq3A_191, %add3A_82, %broadcast_in_dim3A_193 : vector<64x2000xi1>, vector<64x2000xf32>
    %select_n3A_195 = arith.select %eq3A_188, %add3A_69, %select_n3A_194 : vector<64x2000xi1>, vector<64x2000xf32>
    %select_n3A_196 = arith.select %eq3A_185, %add3A_58, %select_n3A_195 : vector<64x2000xi1>, vector<64x2000xf32>
    %select_n3A_197 = arith.select %eq3A_182, %mul3A_44, %select_n3A_196 : vector<64x2000xi1>, vector<64x2000xf32>
    %slice3A_198 = vector.extract_strided_slice %get3A_31 {offsets = [3, 0, 0], sizes = [1, 32, 64], strides = [1, 1, 1]} : vector<8x32x64xf32> to vector<1x32x64xf32>
    %squeeze3A_199 = vector.shape_cast %slice3A_198 : vector<1x32x64xf32> to vector<32x64xf32>
    %mul3A_200 = arith.constant 0.166666672 : f32
    %mul3A_201 = vector.broadcast %mul3A_200 : f32 to vector<32x64xf32>
    %mul3A_202 = arith.mulf %get3A_34, %mul3A_201 : vector<32x64xf32>
    %mul3A_203 = arith.mulf %squeeze3A_199, %mul3A_202 : vector<32x64xf32>
    %dot_general3A_204 = arith.constant dense<0.000000e+00> : vector<32x2000xf32>
    %dot_general3A_205 = tpu.matmul %mul3A_203, %select_n3A_197, %dot_general3A_204 {dimension_numbers = #tpu.dot_dimension_numbers<[1], [0], [0], [1], [0, 0, 1, 1], [], []>, transpose_lhs_hint = false} : vector<32x64xf32>, vector<64x2000xf32>, vector<32x2000xf32> -> vector<32x2000xf32>
    %add3A_206 = arith.addf %add3A_176, %dot_general3A_205 : vector<32x2000xf32>
    %sub3A_207 = arith.constant 4.000000e+00 : f32
    %sub3A_208 = vector.broadcast %sub3A_207 : f32 to vector<64x2000xf32>
    %sub3A_209 = arith.subf %floor3A, %sub3A_208 : vector<64x2000xf32>
    %eq3A_210 = arith.constant 0.000000e+00 : f32
    %eq3A_211 = vector.broadcast %eq3A_210 : f32 to vector<64x2000xf32>
    %eq3A_212 = arith.cmpf oeq, %sub3A_209, %eq3A_211 : vector<64x2000xf32>
    %eq3A_213 = arith.constant 1.000000e+00 : f32
    %eq3A_214 = vector.broadcast %eq3A_213 : f32 to vector<64x2000xf32>
    %eq3A_215 = arith.cmpf oeq, %sub3A_209, %eq3A_214 : vector<64x2000xf32>
    %eq3A_216 = arith.constant 2.000000e+00 : f32
    %eq3A_217 = vector.broadcast %eq3A_216 : f32 to vector<64x2000xf32>
    %eq3A_218 = arith.cmpf oeq, %sub3A_209, %eq3A_217 : vector<64x2000xf32>
    %eq3A_219 = arith.constant 3.000000e+00 : f32
    %eq3A_220 = vector.broadcast %eq3A_219 : f32 to vector<64x2000xf32>
    %eq3A_221 = arith.cmpf oeq, %sub3A_209, %eq3A_220 : vector<64x2000xf32>
    %jit3A_222 = arith.constant 0.000000e+00 : f32
    %broadcast_in_dim3A_223 = vector.broadcast %jit3A_222 : f32 to vector<64x2000xf32>
    %select_n3A_224 = arith.select %eq3A_221, %add3A_82, %broadcast_in_dim3A_223 : vector<64x2000xi1>, vector<64x2000xf32>
    %select_n3A_225 = arith.select %eq3A_218, %add3A_69, %select_n3A_224 : vector<64x2000xi1>, vector<64x2000xf32>
    %select_n3A_226 = arith.select %eq3A_215, %add3A_58, %select_n3A_225 : vector<64x2000xi1>, vector<64x2000xf32>
    %select_n3A_227 = arith.select %eq3A_212, %mul3A_44, %select_n3A_226 : vector<64x2000xi1>, vector<64x2000xf32>
    %slice3A_228 = vector.extract_strided_slice %get3A_31 {offsets = [4, 0, 0], sizes = [1, 32, 64], strides = [1, 1, 1]} : vector<8x32x64xf32> to vector<1x32x64xf32>
    %squeeze3A_229 = vector.shape_cast %slice3A_228 : vector<1x32x64xf32> to vector<32x64xf32>
    %mul3A_230 = arith.constant 0.166666672 : f32
    %mul3A_231 = vector.broadcast %mul3A_230 : f32 to vector<32x64xf32>
    %mul3A_232 = arith.mulf %get3A_34, %mul3A_231 : vector<32x64xf32>
    %mul3A_233 = arith.mulf %squeeze3A_229, %mul3A_232 : vector<32x64xf32>
    %dot_general3A_234 = arith.constant dense<0.000000e+00> : vector<32x2000xf32>
    %dot_general3A_235 = tpu.matmul %mul3A_233, %select_n3A_227, %dot_general3A_234 {dimension_numbers = #tpu.dot_dimension_numbers<[1], [0], [0], [1], [0, 0, 1, 1], [], []>, transpose_lhs_hint = false} : vector<32x64xf32>, vector<64x2000xf32>, vector<32x2000xf32> -> vector<32x2000xf32>
    %add3A_236 = arith.addf %add3A_206, %dot_general3A_235 : vector<32x2000xf32>
    %sub3A_237 = arith.constant 5.000000e+00 : f32
    %sub3A_238 = vector.broadcast %sub3A_237 : f32 to vector<64x2000xf32>
    %sub3A_239 = arith.subf %floor3A, %sub3A_238 : vector<64x2000xf32>
    %eq3A_240 = arith.constant 0.000000e+00 : f32
    %eq3A_241 = vector.broadcast %eq3A_240 : f32 to vector<64x2000xf32>
    %eq3A_242 = arith.cmpf oeq, %sub3A_239, %eq3A_241 : vector<64x2000xf32>
    %eq3A_243 = arith.constant 1.000000e+00 : f32
    %eq3A_244 = vector.broadcast %eq3A_243 : f32 to vector<64x2000xf32>
    %eq3A_245 = arith.cmpf oeq, %sub3A_239, %eq3A_244 : vector<64x2000xf32>
    %eq3A_246 = arith.constant 2.000000e+00 : f32
    %eq3A_247 = vector.broadcast %eq3A_246 : f32 to vector<64x2000xf32>
    %eq3A_248 = arith.cmpf oeq, %sub3A_239, %eq3A_247 : vector<64x2000xf32>
    %eq3A_249 = arith.constant 3.000000e+00 : f32
    %eq3A_250 = vector.broadcast %eq3A_249 : f32 to vector<64x2000xf32>
    %eq3A_251 = arith.cmpf oeq, %sub3A_239, %eq3A_250 : vector<64x2000xf32>
    %jit3A_252 = arith.constant 0.000000e+00 : f32
    %broadcast_in_dim3A_253 = vector.broadcast %jit3A_252 : f32 to vector<64x2000xf32>
    %select_n3A_254 = arith.select %eq3A_251, %add3A_82, %broadcast_in_dim3A_253 : vector<64x2000xi1>, vector<64x2000xf32>
    %select_n3A_255 = arith.select %eq3A_248, %add3A_69, %select_n3A_254 : vector<64x2000xi1>, vector<64x2000xf32>
    %select_n3A_256 = arith.select %eq3A_245, %add3A_58, %select_n3A_255 : vector<64x2000xi1>, vector<64x2000xf32>
    %select_n3A_257 = arith.select %eq3A_242, %mul3A_44, %select_n3A_256 : vector<64x2000xi1>, vector<64x2000xf32>
    %slice3A_258 = vector.extract_strided_slice %get3A_31 {offsets = [5, 0, 0], sizes = [1, 32, 64], strides = [1, 1, 1]} : vector<8x32x64xf32> to vector<1x32x64xf32>
    %squeeze3A_259 = vector.shape_cast %slice3A_258 : vector<1x32x64xf32> to vector<32x64xf32>
    %mul3A_260 = arith.constant 0.166666672 : f32
    %mul3A_261 = vector.broadcast %mul3A_260 : f32 to vector<32x64xf32>
    %mul3A_262 = arith.mulf %get3A_34, %mul3A_261 : vector<32x64xf32>
    %mul3A_263 = arith.mulf %squeeze3A_259, %mul3A_262 : vector<32x64xf32>
    %dot_general3A_264 = arith.constant dense<0.000000e+00> : vector<32x2000xf32>
    %dot_general3A_265 = tpu.matmul %mul3A_263, %select_n3A_257, %dot_general3A_264 {dimension_numbers = #tpu.dot_dimension_numbers<[1], [0], [0], [1], [0, 0, 1, 1], [], []>, transpose_lhs_hint = false} : vector<32x64xf32>, vector<64x2000xf32>, vector<32x2000xf32> -> vector<32x2000xf32>
    %add3A_266 = arith.addf %add3A_236, %dot_general3A_265 : vector<32x2000xf32>
    %sub3A_267 = arith.constant 6.000000e+00 : f32
    %sub3A_268 = vector.broadcast %sub3A_267 : f32 to vector<64x2000xf32>
    %sub3A_269 = arith.subf %floor3A, %sub3A_268 : vector<64x2000xf32>
    %eq3A_270 = arith.constant 0.000000e+00 : f32
    %eq3A_271 = vector.broadcast %eq3A_270 : f32 to vector<64x2000xf32>
    %eq3A_272 = arith.cmpf oeq, %sub3A_269, %eq3A_271 : vector<64x2000xf32>
    %eq3A_273 = arith.constant 1.000000e+00 : f32
    %eq3A_274 = vector.broadcast %eq3A_273 : f32 to vector<64x2000xf32>
    %eq3A_275 = arith.cmpf oeq, %sub3A_269, %eq3A_274 : vector<64x2000xf32>
    %eq3A_276 = arith.constant 2.000000e+00 : f32
    %eq3A_277 = vector.broadcast %eq3A_276 : f32 to vector<64x2000xf32>
    %eq3A_278 = arith.cmpf oeq, %sub3A_269, %eq3A_277 : vector<64x2000xf32>
    %eq3A_279 = arith.constant 3.000000e+00 : f32
    %eq3A_280 = vector.broadcast %eq3A_279 : f32 to vector<64x2000xf32>
    %eq3A_281 = arith.cmpf oeq, %sub3A_269, %eq3A_280 : vector<64x2000xf32>
    %jit3A_282 = arith.constant 0.000000e+00 : f32
    %broadcast_in_dim3A_283 = vector.broadcast %jit3A_282 : f32 to vector<64x2000xf32>
    %select_n3A_284 = arith.select %eq3A_281, %add3A_82, %broadcast_in_dim3A_283 : vector<64x2000xi1>, vector<64x2000xf32>
    %select_n3A_285 = arith.select %eq3A_278, %add3A_69, %select_n3A_284 : vector<64x2000xi1>, vector<64x2000xf32>
    %select_n3A_286 = arith.select %eq3A_275, %add3A_58, %select_n3A_285 : vector<64x2000xi1>, vector<64x2000xf32>
    %select_n3A_287 = arith.select %eq3A_272, %mul3A_44, %select_n3A_286 : vector<64x2000xi1>, vector<64x2000xf32>
    %slice3A_288 = vector.extract_strided_slice %get3A_31 {offsets = [6, 0, 0], sizes = [1, 32, 64], strides = [1, 1, 1]} : vector<8x32x64xf32> to vector<1x32x64xf32>
    %squeeze3A_289 = vector.shape_cast %slice3A_288 : vector<1x32x64xf32> to vector<32x64xf32>
    %mul3A_290 = arith.constant 0.166666672 : f32
    %mul3A_291 = vector.broadcast %mul3A_290 : f32 to vector<32x64xf32>
    %mul3A_292 = arith.mulf %get3A_34, %mul3A_291 : vector<32x64xf32>
    %mul3A_293 = arith.mulf %squeeze3A_289, %mul3A_292 : vector<32x64xf32>
    %dot_general3A_294 = arith.constant dense<0.000000e+00> : vector<32x2000xf32>
    %dot_general3A_295 = tpu.matmul %mul3A_293, %select_n3A_287, %dot_general3A_294 {dimension_numbers = #tpu.dot_dimension_numbers<[1], [0], [0], [1], [0, 0, 1, 1], [], []>, transpose_lhs_hint = false} : vector<32x64xf32>, vector<64x2000xf32>, vector<32x2000xf32> -> vector<32x2000xf32>
    %add3A_296 = arith.addf %add3A_266, %dot_general3A_295 : vector<32x2000xf32>
    %sub3A_297 = arith.constant 7.000000e+00 : f32
    %sub3A_298 = vector.broadcast %sub3A_297 : f32 to vector<64x2000xf32>
    %sub3A_299 = arith.subf %floor3A, %sub3A_298 : vector<64x2000xf32>
    %eq3A_300 = arith.constant 0.000000e+00 : f32
    %eq3A_301 = vector.broadcast %eq3A_300 : f32 to vector<64x2000xf32>
    %eq3A_302 = arith.cmpf oeq, %sub3A_299, %eq3A_301 : vector<64x2000xf32>
    %eq3A_303 = arith.constant 1.000000e+00 : f32
    %eq3A_304 = vector.broadcast %eq3A_303 : f32 to vector<64x2000xf32>
    %eq3A_305 = arith.cmpf oeq, %sub3A_299, %eq3A_304 : vector<64x2000xf32>
    %eq3A_306 = arith.constant 2.000000e+00 : f32
    %eq3A_307 = vector.broadcast %eq3A_306 : f32 to vector<64x2000xf32>
    %eq3A_308 = arith.cmpf oeq, %sub3A_299, %eq3A_307 : vector<64x2000xf32>
    %eq3A_309 = arith.constant 3.000000e+00 : f32
    %eq3A_310 = vector.broadcast %eq3A_309 : f32 to vector<64x2000xf32>
    %eq3A_311 = arith.cmpf oeq, %sub3A_299, %eq3A_310 : vector<64x2000xf32>
    %jit3A_312 = arith.constant 0.000000e+00 : f32
    %broadcast_in_dim3A_313 = vector.broadcast %jit3A_312 : f32 to vector<64x2000xf32>
    %select_n3A_314 = arith.select %eq3A_311, %add3A_82, %broadcast_in_dim3A_313 : vector<64x2000xi1>, vector<64x2000xf32>
    %select_n3A_315 = arith.select %eq3A_308, %add3A_69, %select_n3A_314 : vector<64x2000xi1>, vector<64x2000xf32>
    %select_n3A_316 = arith.select %eq3A_305, %add3A_58, %select_n3A_315 : vector<64x2000xi1>, vector<64x2000xf32>
    %select_n3A_317 = arith.select %eq3A_302, %mul3A_44, %select_n3A_316 : vector<64x2000xi1>, vector<64x2000xf32>
    %slice3A_318 = vector.extract_strided_slice %get3A_31 {offsets = [7, 0, 0], sizes = [1, 32, 64], strides = [1, 1, 1]} : vector<8x32x64xf32> to vector<1x32x64xf32>
    %squeeze3A_319 = vector.shape_cast %slice3A_318 : vector<1x32x64xf32> to vector<32x64xf32>
    %mul3A_320 = arith.constant 0.166666672 : f32
    %mul3A_321 = vector.broadcast %mul3A_320 : f32 to vector<32x64xf32>
    %mul3A_322 = arith.mulf %get3A_34, %mul3A_321 : vector<32x64xf32>
    %mul3A_323 = arith.mulf %squeeze3A_319, %mul3A_322 : vector<32x64xf32>
    %dot_general3A_324 = arith.constant dense<0.000000e+00> : vector<32x2000xf32>
    %dot_general3A_325 = tpu.matmul %mul3A_323, %select_n3A_317, %dot_general3A_324 {dimension_numbers = #tpu.dot_dimension_numbers<[1], [0], [0], [1], [0, 0, 1, 1], [], []>, transpose_lhs_hint = false} : vector<32x64xf32>, vector<64x2000xf32>, vector<32x2000xf32> -> vector<32x2000xf32>
    %add3A_326 = arith.addf %add3A_296, %dot_general3A_325 : vector<32x2000xf32>
    %get3A_327 = arith.constant 0 : index
    %get3A_328 = arith.constant 0 : index
    %get3A_329 = vector.load %arg9[%get3A_327, %get3A_328] : memref<12x32xf32, #tpu.memory_space<vmem>>, vector<12x32xf32>
    %get3A_330 = arith.constant 0 : index
    %get3A_331 = arith.constant 0 : index
    %get3A_332 = vector.load %arg10[%get3A_330, %get3A_331] : memref<1x32xf32, #tpu.memory_space<vmem>>, vector<1x32xf32>
    %get3A_333 = arith.constant 0 : index
    %get3A_334 = arith.constant 0 : index
    %get3A_335 = arith.constant 0 : index
    %get3A_336 = vector.load %arg11[%get3A_333, %get3A_334, %get3A_335] : memref<8x1x32xf32, #tpu.memory_space<vmem>>, vector<8x1x32xf32>
    %get3A_337 = arith.constant 0 : index
    %get3A_338 = arith.constant 0 : index
    %get3A_339 = vector.load %arg12[%get3A_337, %get3A_338] : memref<1x32xf32, #tpu.memory_space<vmem>>, vector<1x32xf32>
    %slice3A_340 = vector.extract_strided_slice %get3A_329 {offsets = [0, 0], sizes = [1, 32], strides = [1, 1]} : vector<12x32xf32> to vector<1x32xf32>
    %squeeze3A_341 = vector.shape_cast %slice3A_340 : vector<1x32xf32> to vector<32xf32>
    %broadcast_in_dim3A_342 = vector.shape_cast %squeeze3A_341 : vector<32xf32> to vector<32x1xf32>
    %slice3A_343 = vector.extract_strided_slice %get3A_329 {offsets = [1, 0], sizes = [1, 32], strides = [1, 1]} : vector<12x32xf32> to vector<1x32xf32>
    %squeeze3A_344 = vector.shape_cast %slice3A_343 : vector<1x32xf32> to vector<32xf32>
    %broadcast_in_dim3A_345 = vector.shape_cast %squeeze3A_344 : vector<32xf32> to vector<32x1xf32>
    %sub3A_346 = arith.subf %broadcast_in_dim3A_345, %broadcast_in_dim3A_342 : vector<32x1xf32>
    %sub3A_347 = vector.broadcast %broadcast_in_dim3A_342 : vector<32x1xf32> to vector<32x2000xf32>
    %sub3A_348 = arith.subf %add3A_326, %sub3A_347 : vector<32x2000xf32>
    %div3A_349 = vector.broadcast %sub3A_346 : vector<32x1xf32> to vector<32x2000xf32>
    %div3A_350 = arith.divf %sub3A_348, %div3A_349 : vector<32x2000xf32>
    %floor3A_351 = math.floor %div3A_350 : vector<32x2000xf32>
    %sub3A_352 = arith.subf %div3A_350, %floor3A_351 : vector<32x2000xf32>
    %mul3A_353 = arith.mulf %sub3A_352, %sub3A_352 : vector<32x2000xf32>
    %mul3A_354 = arith.mulf %mul3A_353, %sub3A_352 : vector<32x2000xf32>
    %mul3A_355 = arith.constant -3.000000e+00 : f32
    %mul3A_356 = vector.broadcast %mul3A_355 : f32 to vector<32x2000xf32>
    %mul3A_357 = arith.mulf %mul3A_356, %sub3A_352 : vector<32x2000xf32>
    %add3A_358 = arith.constant 3.000000e+00 : f32
    %add3A_359 = vector.broadcast %add3A_358 : f32 to vector<32x2000xf32>
    %add3A_360 = arith.addf %mul3A_357, %add3A_359 : vector<32x2000xf32>
    %mul3A_361 = arith.mulf %add3A_360, %sub3A_352 : vector<32x2000xf32>
    %add3A_362 = arith.constant 3.000000e+00 : f32
    %add3A_363 = vector.broadcast %add3A_362 : f32 to vector<32x2000xf32>
    %add3A_364 = arith.addf %mul3A_361, %add3A_363 : vector<32x2000xf32>
    %mul3A_365 = arith.mulf %add3A_364, %sub3A_352 : vector<32x2000xf32>
    %add3A_366 = arith.constant 1.000000e+00 : f32
    %add3A_367 = vector.broadcast %add3A_366 : f32 to vector<32x2000xf32>
    %add3A_368 = arith.addf %mul3A_365, %add3A_367 : vector<32x2000xf32>
    %mul3A_369 = arith.constant 3.000000e+00 : f32
    %mul3A_370 = vector.broadcast %mul3A_369 : f32 to vector<32x2000xf32>
    %mul3A_371 = arith.mulf %mul3A_370, %sub3A_352 : vector<32x2000xf32>
    %sub3A_372 = arith.constant 6.000000e+00 : f32
    %sub3A_373 = vector.broadcast %sub3A_372 : f32 to vector<32x2000xf32>
    %sub3A_374 = arith.subf %mul3A_371, %sub3A_373 : vector<32x2000xf32>
    %mul3A_375 = arith.mulf %sub3A_374, %sub3A_352 : vector<32x2000xf32>
    %mul3A_376 = arith.mulf %mul3A_375, %sub3A_352 : vector<32x2000xf32>
    %add3A_377 = arith.constant 4.000000e+00 : f32
    %add3A_378 = vector.broadcast %add3A_377 : f32 to vector<32x2000xf32>
    %add3A_379 = arith.addf %mul3A_376, %add3A_378 : vector<32x2000xf32>
    %neg3A_380 = arith.constant 0.000000e+00 : f32
    %neg3A_381 = vector.broadcast %neg3A_380 : f32 to vector<32x2000xf32>
    %neg3A_382 = arith.subf %neg3A_381, %sub3A_352 : vector<32x2000xf32>
    %add3A_383 = arith.constant 3.000000e+00 : f32
    %add3A_384 = vector.broadcast %add3A_383 : f32 to vector<32x2000xf32>
    %add3A_385 = arith.addf %neg3A_382, %add3A_384 : vector<32x2000xf32>
    %mul3A_386 = arith.mulf %add3A_385, %sub3A_352 : vector<32x2000xf32>
    %sub3A_387 = arith.constant 3.000000e+00 : f32
    %sub3A_388 = vector.broadcast %sub3A_387 : f32 to vector<32x2000xf32>
    %sub3A_389 = arith.subf %mul3A_386, %sub3A_388 : vector<32x2000xf32>
    %mul3A_390 = arith.mulf %sub3A_389, %sub3A_352 : vector<32x2000xf32>
    %add3A_391 = arith.constant 1.000000e+00 : f32
    %add3A_392 = vector.broadcast %add3A_391 : f32 to vector<32x2000xf32>
    %add3A_393 = arith.addf %mul3A_390, %add3A_392 : vector<32x2000xf32>
    %logistic3A_394 = arith.negf %add3A_326 : vector<32x2000xf32>
    %logistic3A_395 = math.exp %logistic3A_394 : vector<32x2000xf32>
    %logistic3A_396 = arith.constant 1.000000e+00 : f32
    %logistic3A_397 = vector.broadcast %logistic3A_396 : f32 to vector<32x2000xf32>
    %logistic3A_398 = arith.addf %logistic3A_397, %logistic3A_395 : vector<32x2000xf32>
    %logistic3A_399 = arith.divf %logistic3A_397, %logistic3A_398 : vector<32x2000xf32>
    %mul3A_400 = arith.mulf %add3A_326, %logistic3A_399 : vector<32x2000xf32>
    %dot_general3A_401 = arith.constant dense<0.000000e+00> : vector<1x2000xf32>
    %dot_general3A_402 = tpu.matmul %get3A_332, %mul3A_400, %dot_general3A_401 {dimension_numbers = #tpu.dot_dimension_numbers<[1], [0], [0], [1], [0, 0, 1, 1], [], []>, transpose_lhs_hint = false} : vector<1x32xf32>, vector<32x2000xf32>, vector<1x2000xf32> -> vector<1x2000xf32>
    %sub3A_403 = arith.constant 0.000000e+00 : f32
    %sub3A_404 = vector.broadcast %sub3A_403 : f32 to vector<32x2000xf32>
    %sub3A_405 = arith.subf %floor3A_351, %sub3A_404 : vector<32x2000xf32>
    %eq3A_406 = arith.constant 0.000000e+00 : f32
    %eq3A_407 = vector.broadcast %eq3A_406 : f32 to vector<32x2000xf32>
    %eq3A_408 = arith.cmpf oeq, %sub3A_405, %eq3A_407 : vector<32x2000xf32>
    %eq3A_409 = arith.constant 1.000000e+00 : f32
    %eq3A_410 = vector.broadcast %eq3A_409 : f32 to vector<32x2000xf32>
    %eq3A_411 = arith.cmpf oeq, %sub3A_405, %eq3A_410 : vector<32x2000xf32>
    %eq3A_412 = arith.constant 2.000000e+00 : f32
    %eq3A_413 = vector.broadcast %eq3A_412 : f32 to vector<32x2000xf32>
    %eq3A_414 = arith.cmpf oeq, %sub3A_405, %eq3A_413 : vector<32x2000xf32>
    %eq3A_415 = arith.constant 3.000000e+00 : f32
    %eq3A_416 = vector.broadcast %eq3A_415 : f32 to vector<32x2000xf32>
    %eq3A_417 = arith.cmpf oeq, %sub3A_405, %eq3A_416 : vector<32x2000xf32>
    %jit3A_418 = arith.constant 0.000000e+00 : f32
    %broadcast_in_dim3A_419 = vector.broadcast %jit3A_418 : f32 to vector<32x2000xf32>
    %select_n3A_420 = arith.select %eq3A_417, %add3A_393, %broadcast_in_dim3A_419 : vector<32x2000xi1>, vector<32x2000xf32>
    %select_n3A_421 = arith.select %eq3A_414, %add3A_379, %select_n3A_420 : vector<32x2000xi1>, vector<32x2000xf32>
    %select_n3A_422 = arith.select %eq3A_411, %add3A_368, %select_n3A_421 : vector<32x2000xi1>, vector<32x2000xf32>
    %select_n3A_423 = arith.select %eq3A_408, %mul3A_354, %select_n3A_422 : vector<32x2000xi1>, vector<32x2000xf32>
    %slice3A_424 = vector.extract_strided_slice %get3A_336 {offsets = [0, 0, 0], sizes = [1, 1, 32], strides = [1, 1, 1]} : vector<8x1x32xf32> to vector<1x1x32xf32>
    %squeeze3A_425 = vector.shape_cast %slice3A_424 : vector<1x1x32xf32> to vector<1x32xf32>
    %mul3A_426 = arith.constant 0.166666672 : f32
    %mul3A_427 = vector.broadcast %mul3A_426 : f32 to vector<1x32xf32>
    %mul3A_428 = arith.mulf %get3A_339, %mul3A_427 : vector<1x32xf32>
    %mul3A_429 = arith.mulf %squeeze3A_425, %mul3A_428 : vector<1x32xf32>
    %dot_general3A_430 = arith.constant dense<0.000000e+00> : vector<1x2000xf32>
    %dot_general3A_431 = tpu.matmul %mul3A_429, %select_n3A_423, %dot_general3A_430 {dimension_numbers = #tpu.dot_dimension_numbers<[1], [0], [0], [1], [0, 0, 1, 1], [], []>, transpose_lhs_hint = false} : vector<1x32xf32>, vector<32x2000xf32>, vector<1x2000xf32> -> vector<1x2000xf32>
    %add3A_432 = arith.addf %dot_general3A_402, %dot_general3A_431 : vector<1x2000xf32>
    %sub3A_433 = arith.constant 1.000000e+00 : f32
    %sub3A_434 = vector.broadcast %sub3A_433 : f32 to vector<32x2000xf32>
    %sub3A_435 = arith.subf %floor3A_351, %sub3A_434 : vector<32x2000xf32>
    %eq3A_436 = arith.constant 0.000000e+00 : f32
    %eq3A_437 = vector.broadcast %eq3A_436 : f32 to vector<32x2000xf32>
    %eq3A_438 = arith.cmpf oeq, %sub3A_435, %eq3A_437 : vector<32x2000xf32>
    %eq3A_439 = arith.constant 1.000000e+00 : f32
    %eq3A_440 = vector.broadcast %eq3A_439 : f32 to vector<32x2000xf32>
    %eq3A_441 = arith.cmpf oeq, %sub3A_435, %eq3A_440 : vector<32x2000xf32>
    %eq3A_442 = arith.constant 2.000000e+00 : f32
    %eq3A_443 = vector.broadcast %eq3A_442 : f32 to vector<32x2000xf32>
    %eq3A_444 = arith.cmpf oeq, %sub3A_435, %eq3A_443 : vector<32x2000xf32>
    %eq3A_445 = arith.constant 3.000000e+00 : f32
    %eq3A_446 = vector.broadcast %eq3A_445 : f32 to vector<32x2000xf32>
    %eq3A_447 = arith.cmpf oeq, %sub3A_435, %eq3A_446 : vector<32x2000xf32>
    %jit3A_448 = arith.constant 0.000000e+00 : f32
    %broadcast_in_dim3A_449 = vector.broadcast %jit3A_448 : f32 to vector<32x2000xf32>
    %select_n3A_450 = arith.select %eq3A_447, %add3A_393, %broadcast_in_dim3A_449 : vector<32x2000xi1>, vector<32x2000xf32>
    %select_n3A_451 = arith.select %eq3A_444, %add3A_379, %select_n3A_450 : vector<32x2000xi1>, vector<32x2000xf32>
    %select_n3A_452 = arith.select %eq3A_441, %add3A_368, %select_n3A_451 : vector<32x2000xi1>, vector<32x2000xf32>
    %select_n3A_453 = arith.select %eq3A_438, %mul3A_354, %select_n3A_452 : vector<32x2000xi1>, vector<32x2000xf32>
    %slice3A_454 = vector.extract_strided_slice %get3A_336 {offsets = [1, 0, 0], sizes = [1, 1, 32], strides = [1, 1, 1]} : vector<8x1x32xf32> to vector<1x1x32xf32>
    %squeeze3A_455 = vector.shape_cast %slice3A_454 : vector<1x1x32xf32> to vector<1x32xf32>
    %mul3A_456 = arith.constant 0.166666672 : f32
    %mul3A_457 = vector.broadcast %mul3A_456 : f32 to vector<1x32xf32>
    %mul3A_458 = arith.mulf %get3A_339, %mul3A_457 : vector<1x32xf32>
    %mul3A_459 = arith.mulf %squeeze3A_455, %mul3A_458 : vector<1x32xf32>
    %dot_general3A_460 = arith.constant dense<0.000000e+00> : vector<1x2000xf32>
    %dot_general3A_461 = tpu.matmul %mul3A_459, %select_n3A_453, %dot_general3A_460 {dimension_numbers = #tpu.dot_dimension_numbers<[1], [0], [0], [1], [0, 0, 1, 1], [], []>, transpose_lhs_hint = false} : vector<1x32xf32>, vector<32x2000xf32>, vector<1x2000xf32> -> vector<1x2000xf32>
    %add3A_462 = arith.addf %add3A_432, %dot_general3A_461 : vector<1x2000xf32>
    %sub3A_463 = arith.constant 2.000000e+00 : f32
    %sub3A_464 = vector.broadcast %sub3A_463 : f32 to vector<32x2000xf32>
    %sub3A_465 = arith.subf %floor3A_351, %sub3A_464 : vector<32x2000xf32>
    %eq3A_466 = arith.constant 0.000000e+00 : f32
    %eq3A_467 = vector.broadcast %eq3A_466 : f32 to vector<32x2000xf32>
    %eq3A_468 = arith.cmpf oeq, %sub3A_465, %eq3A_467 : vector<32x2000xf32>
    %eq3A_469 = arith.constant 1.000000e+00 : f32
    %eq3A_470 = vector.broadcast %eq3A_469 : f32 to vector<32x2000xf32>
    %eq3A_471 = arith.cmpf oeq, %sub3A_465, %eq3A_470 : vector<32x2000xf32>
    %eq3A_472 = arith.constant 2.000000e+00 : f32
    %eq3A_473 = vector.broadcast %eq3A_472 : f32 to vector<32x2000xf32>
    %eq3A_474 = arith.cmpf oeq, %sub3A_465, %eq3A_473 : vector<32x2000xf32>
    %eq3A_475 = arith.constant 3.000000e+00 : f32
    %eq3A_476 = vector.broadcast %eq3A_475 : f32 to vector<32x2000xf32>
    %eq3A_477 = arith.cmpf oeq, %sub3A_465, %eq3A_476 : vector<32x2000xf32>
    %jit3A_478 = arith.constant 0.000000e+00 : f32
    %broadcast_in_dim3A_479 = vector.broadcast %jit3A_478 : f32 to vector<32x2000xf32>
    %select_n3A_480 = arith.select %eq3A_477, %add3A_393, %broadcast_in_dim3A_479 : vector<32x2000xi1>, vector<32x2000xf32>
    %select_n3A_481 = arith.select %eq3A_474, %add3A_379, %select_n3A_480 : vector<32x2000xi1>, vector<32x2000xf32>
    %select_n3A_482 = arith.select %eq3A_471, %add3A_368, %select_n3A_481 : vector<32x2000xi1>, vector<32x2000xf32>
    %select_n3A_483 = arith.select %eq3A_468, %mul3A_354, %select_n3A_482 : vector<32x2000xi1>, vector<32x2000xf32>
    %slice3A_484 = vector.extract_strided_slice %get3A_336 {offsets = [2, 0, 0], sizes = [1, 1, 32], strides = [1, 1, 1]} : vector<8x1x32xf32> to vector<1x1x32xf32>
    %squeeze3A_485 = vector.shape_cast %slice3A_484 : vector<1x1x32xf32> to vector<1x32xf32>
    %mul3A_486 = arith.constant 0.166666672 : f32
    %mul3A_487 = vector.broadcast %mul3A_486 : f32 to vector<1x32xf32>
    %mul3A_488 = arith.mulf %get3A_339, %mul3A_487 : vector<1x32xf32>
    %mul3A_489 = arith.mulf %squeeze3A_485, %mul3A_488 : vector<1x32xf32>
    %dot_general3A_490 = arith.constant dense<0.000000e+00> : vector<1x2000xf32>
    %dot_general3A_491 = tpu.matmul %mul3A_489, %select_n3A_483, %dot_general3A_490 {dimension_numbers = #tpu.dot_dimension_numbers<[1], [0], [0], [1], [0, 0, 1, 1], [], []>, transpose_lhs_hint = false} : vector<1x32xf32>, vector<32x2000xf32>, vector<1x2000xf32> -> vector<1x2000xf32>
    %add3A_492 = arith.addf %add3A_462, %dot_general3A_491 : vector<1x2000xf32>
    %sub3A_493 = arith.constant 3.000000e+00 : f32
    %sub3A_494 = vector.broadcast %sub3A_493 : f32 to vector<32x2000xf32>
    %sub3A_495 = arith.subf %floor3A_351, %sub3A_494 : vector<32x2000xf32>
    %eq3A_496 = arith.constant 0.000000e+00 : f32
    %eq3A_497 = vector.broadcast %eq3A_496 : f32 to vector<32x2000xf32>
    %eq3A_498 = arith.cmpf oeq, %sub3A_495, %eq3A_497 : vector<32x2000xf32>
    %eq3A_499 = arith.constant 1.000000e+00 : f32
    %eq3A_500 = vector.broadcast %eq3A_499 : f32 to vector<32x2000xf32>
    %eq3A_501 = arith.cmpf oeq, %sub3A_495, %eq3A_500 : vector<32x2000xf32>
    %eq3A_502 = arith.constant 2.000000e+00 : f32
    %eq3A_503 = vector.broadcast %eq3A_502 : f32 to vector<32x2000xf32>
    %eq3A_504 = arith.cmpf oeq, %sub3A_495, %eq3A_503 : vector<32x2000xf32>
    %eq3A_505 = arith.constant 3.000000e+00 : f32
    %eq3A_506 = vector.broadcast %eq3A_505 : f32 to vector<32x2000xf32>
    %eq3A_507 = arith.cmpf oeq, %sub3A_495, %eq3A_506 : vector<32x2000xf32>
    %jit3A_508 = arith.constant 0.000000e+00 : f32
    %broadcast_in_dim3A_509 = vector.broadcast %jit3A_508 : f32 to vector<32x2000xf32>
    %select_n3A_510 = arith.select %eq3A_507, %add3A_393, %broadcast_in_dim3A_509 : vector<32x2000xi1>, vector<32x2000xf32>
    %select_n3A_511 = arith.select %eq3A_504, %add3A_379, %select_n3A_510 : vector<32x2000xi1>, vector<32x2000xf32>
    %select_n3A_512 = arith.select %eq3A_501, %add3A_368, %select_n3A_511 : vector<32x2000xi1>, vector<32x2000xf32>
    %select_n3A_513 = arith.select %eq3A_498, %mul3A_354, %select_n3A_512 : vector<32x2000xi1>, vector<32x2000xf32>
    %slice3A_514 = vector.extract_strided_slice %get3A_336 {offsets = [3, 0, 0], sizes = [1, 1, 32], strides = [1, 1, 1]} : vector<8x1x32xf32> to vector<1x1x32xf32>
    %squeeze3A_515 = vector.shape_cast %slice3A_514 : vector<1x1x32xf32> to vector<1x32xf32>
    %mul3A_516 = arith.constant 0.166666672 : f32
    %mul3A_517 = vector.broadcast %mul3A_516 : f32 to vector<1x32xf32>
    %mul3A_518 = arith.mulf %get3A_339, %mul3A_517 : vector<1x32xf32>
    %mul3A_519 = arith.mulf %squeeze3A_515, %mul3A_518 : vector<1x32xf32>
    %dot_general3A_520 = arith.constant dense<0.000000e+00> : vector<1x2000xf32>
    %dot_general3A_521 = tpu.matmul %mul3A_519, %select_n3A_513, %dot_general3A_520 {dimension_numbers = #tpu.dot_dimension_numbers<[1], [0], [0], [1], [0, 0, 1, 1], [], []>, transpose_lhs_hint = false} : vector<1x32xf32>, vector<32x2000xf32>, vector<1x2000xf32> -> vector<1x2000xf32>
    %add3A_522 = arith.addf %add3A_492, %dot_general3A_521 : vector<1x2000xf32>
    %sub3A_523 = arith.constant 4.000000e+00 : f32
    %sub3A_524 = vector.broadcast %sub3A_523 : f32 to vector<32x2000xf32>
    %sub3A_525 = arith.subf %floor3A_351, %sub3A_524 : vector<32x2000xf32>
    %eq3A_526 = arith.constant 0.000000e+00 : f32
    %eq3A_527 = vector.broadcast %eq3A_526 : f32 to vector<32x2000xf32>
    %eq3A_528 = arith.cmpf oeq, %sub3A_525, %eq3A_527 : vector<32x2000xf32>
    %eq3A_529 = arith.constant 1.000000e+00 : f32
    %eq3A_530 = vector.broadcast %eq3A_529 : f32 to vector<32x2000xf32>
    %eq3A_531 = arith.cmpf oeq, %sub3A_525, %eq3A_530 : vector<32x2000xf32>
    %eq3A_532 = arith.constant 2.000000e+00 : f32
    %eq3A_533 = vector.broadcast %eq3A_532 : f32 to vector<32x2000xf32>
    %eq3A_534 = arith.cmpf oeq, %sub3A_525, %eq3A_533 : vector<32x2000xf32>
    %eq3A_535 = arith.constant 3.000000e+00 : f32
    %eq3A_536 = vector.broadcast %eq3A_535 : f32 to vector<32x2000xf32>
    %eq3A_537 = arith.cmpf oeq, %sub3A_525, %eq3A_536 : vector<32x2000xf32>
    %jit3A_538 = arith.constant 0.000000e+00 : f32
    %broadcast_in_dim3A_539 = vector.broadcast %jit3A_538 : f32 to vector<32x2000xf32>
    %select_n3A_540 = arith.select %eq3A_537, %add3A_393, %broadcast_in_dim3A_539 : vector<32x2000xi1>, vector<32x2000xf32>
    %select_n3A_541 = arith.select %eq3A_534, %add3A_379, %select_n3A_540 : vector<32x2000xi1>, vector<32x2000xf32>
    %select_n3A_542 = arith.select %eq3A_531, %add3A_368, %select_n3A_541 : vector<32x2000xi1>, vector<32x2000xf32>
    %select_n3A_543 = arith.select %eq3A_528, %mul3A_354, %select_n3A_542 : vector<32x2000xi1>, vector<32x2000xf32>
    %slice3A_544 = vector.extract_strided_slice %get3A_336 {offsets = [4, 0, 0], sizes = [1, 1, 32], strides = [1, 1, 1]} : vector<8x1x32xf32> to vector<1x1x32xf32>
    %squeeze3A_545 = vector.shape_cast %slice3A_544 : vector<1x1x32xf32> to vector<1x32xf32>
    %mul3A_546 = arith.constant 0.166666672 : f32
    %mul3A_547 = vector.broadcast %mul3A_546 : f32 to vector<1x32xf32>
    %mul3A_548 = arith.mulf %get3A_339, %mul3A_547 : vector<1x32xf32>
    %mul3A_549 = arith.mulf %squeeze3A_545, %mul3A_548 : vector<1x32xf32>
    %dot_general3A_550 = arith.constant dense<0.000000e+00> : vector<1x2000xf32>
    %dot_general3A_551 = tpu.matmul %mul3A_549, %select_n3A_543, %dot_general3A_550 {dimension_numbers = #tpu.dot_dimension_numbers<[1], [0], [0], [1], [0, 0, 1, 1], [], []>, transpose_lhs_hint = false} : vector<1x32xf32>, vector<32x2000xf32>, vector<1x2000xf32> -> vector<1x2000xf32>
    %add3A_552 = arith.addf %add3A_522, %dot_general3A_551 : vector<1x2000xf32>
    %sub3A_553 = arith.constant 5.000000e+00 : f32
    %sub3A_554 = vector.broadcast %sub3A_553 : f32 to vector<32x2000xf32>
    %sub3A_555 = arith.subf %floor3A_351, %sub3A_554 : vector<32x2000xf32>
    %eq3A_556 = arith.constant 0.000000e+00 : f32
    %eq3A_557 = vector.broadcast %eq3A_556 : f32 to vector<32x2000xf32>
    %eq3A_558 = arith.cmpf oeq, %sub3A_555, %eq3A_557 : vector<32x2000xf32>
    %eq3A_559 = arith.constant 1.000000e+00 : f32
    %eq3A_560 = vector.broadcast %eq3A_559 : f32 to vector<32x2000xf32>
    %eq3A_561 = arith.cmpf oeq, %sub3A_555, %eq3A_560 : vector<32x2000xf32>
    %eq3A_562 = arith.constant 2.000000e+00 : f32
    %eq3A_563 = vector.broadcast %eq3A_562 : f32 to vector<32x2000xf32>
    %eq3A_564 = arith.cmpf oeq, %sub3A_555, %eq3A_563 : vector<32x2000xf32>
    %eq3A_565 = arith.constant 3.000000e+00 : f32
    %eq3A_566 = vector.broadcast %eq3A_565 : f32 to vector<32x2000xf32>
    %eq3A_567 = arith.cmpf oeq, %sub3A_555, %eq3A_566 : vector<32x2000xf32>
    %jit3A_568 = arith.constant 0.000000e+00 : f32
    %broadcast_in_dim3A_569 = vector.broadcast %jit3A_568 : f32 to vector<32x2000xf32>
    %select_n3A_570 = arith.select %eq3A_567, %add3A_393, %broadcast_in_dim3A_569 : vector<32x2000xi1>, vector<32x2000xf32>
    %select_n3A_571 = arith.select %eq3A_564, %add3A_379, %select_n3A_570 : vector<32x2000xi1>, vector<32x2000xf32>
    %select_n3A_572 = arith.select %eq3A_561, %add3A_368, %select_n3A_571 : vector<32x2000xi1>, vector<32x2000xf32>
    %select_n3A_573 = arith.select %eq3A_558, %mul3A_354, %select_n3A_572 : vector<32x2000xi1>, vector<32x2000xf32>
    %slice3A_574 = vector.extract_strided_slice %get3A_336 {offsets = [5, 0, 0], sizes = [1, 1, 32], strides = [1, 1, 1]} : vector<8x1x32xf32> to vector<1x1x32xf32>
    %squeeze3A_575 = vector.shape_cast %slice3A_574 : vector<1x1x32xf32> to vector<1x32xf32>
    %mul3A_576 = arith.constant 0.166666672 : f32
    %mul3A_577 = vector.broadcast %mul3A_576 : f32 to vector<1x32xf32>
    %mul3A_578 = arith.mulf %get3A_339, %mul3A_577 : vector<1x32xf32>
    %mul3A_579 = arith.mulf %squeeze3A_575, %mul3A_578 : vector<1x32xf32>
    %dot_general3A_580 = arith.constant dense<0.000000e+00> : vector<1x2000xf32>
    %dot_general3A_581 = tpu.matmul %mul3A_579, %select_n3A_573, %dot_general3A_580 {dimension_numbers = #tpu.dot_dimension_numbers<[1], [0], [0], [1], [0, 0, 1, 1], [], []>, transpose_lhs_hint = false} : vector<1x32xf32>, vector<32x2000xf32>, vector<1x2000xf32> -> vector<1x2000xf32>
    %add3A_582 = arith.addf %add3A_552, %dot_general3A_581 : vector<1x2000xf32>
    %sub3A_583 = arith.constant 6.000000e+00 : f32
    %sub3A_584 = vector.broadcast %sub3A_583 : f32 to vector<32x2000xf32>
    %sub3A_585 = arith.subf %floor3A_351, %sub3A_584 : vector<32x2000xf32>
    %eq3A_586 = arith.constant 0.000000e+00 : f32
    %eq3A_587 = vector.broadcast %eq3A_586 : f32 to vector<32x2000xf32>
    %eq3A_588 = arith.cmpf oeq, %sub3A_585, %eq3A_587 : vector<32x2000xf32>
    %eq3A_589 = arith.constant 1.000000e+00 : f32
    %eq3A_590 = vector.broadcast %eq3A_589 : f32 to vector<32x2000xf32>
    %eq3A_591 = arith.cmpf oeq, %sub3A_585, %eq3A_590 : vector<32x2000xf32>
    %eq3A_592 = arith.constant 2.000000e+00 : f32
    %eq3A_593 = vector.broadcast %eq3A_592 : f32 to vector<32x2000xf32>
    %eq3A_594 = arith.cmpf oeq, %sub3A_585, %eq3A_593 : vector<32x2000xf32>
    %eq3A_595 = arith.constant 3.000000e+00 : f32
    %eq3A_596 = vector.broadcast %eq3A_595 : f32 to vector<32x2000xf32>
    %eq3A_597 = arith.cmpf oeq, %sub3A_585, %eq3A_596 : vector<32x2000xf32>
    %jit3A_598 = arith.constant 0.000000e+00 : f32
    %broadcast_in_dim3A_599 = vector.broadcast %jit3A_598 : f32 to vector<32x2000xf32>
    %select_n3A_600 = arith.select %eq3A_597, %add3A_393, %broadcast_in_dim3A_599 : vector<32x2000xi1>, vector<32x2000xf32>
    %select_n3A_601 = arith.select %eq3A_594, %add3A_379, %select_n3A_600 : vector<32x2000xi1>, vector<32x2000xf32>
    %select_n3A_602 = arith.select %eq3A_591, %add3A_368, %select_n3A_601 : vector<32x2000xi1>, vector<32x2000xf32>
    %select_n3A_603 = arith.select %eq3A_588, %mul3A_354, %select_n3A_602 : vector<32x2000xi1>, vector<32x2000xf32>
    %slice3A_604 = vector.extract_strided_slice %get3A_336 {offsets = [6, 0, 0], sizes = [1, 1, 32], strides = [1, 1, 1]} : vector<8x1x32xf32> to vector<1x1x32xf32>
    %squeeze3A_605 = vector.shape_cast %slice3A_604 : vector<1x1x32xf32> to vector<1x32xf32>
    %mul3A_606 = arith.constant 0.166666672 : f32
    %mul3A_607 = vector.broadcast %mul3A_606 : f32 to vector<1x32xf32>
    %mul3A_608 = arith.mulf %get3A_339, %mul3A_607 : vector<1x32xf32>
    %mul3A_609 = arith.mulf %squeeze3A_605, %mul3A_608 : vector<1x32xf32>
    %dot_general3A_610 = arith.constant dense<0.000000e+00> : vector<1x2000xf32>
    %dot_general3A_611 = tpu.matmul %mul3A_609, %select_n3A_603, %dot_general3A_610 {dimension_numbers = #tpu.dot_dimension_numbers<[1], [0], [0], [1], [0, 0, 1, 1], [], []>, transpose_lhs_hint = false} : vector<1x32xf32>, vector<32x2000xf32>, vector<1x2000xf32> -> vector<1x2000xf32>
    %add3A_612 = arith.addf %add3A_582, %dot_general3A_611 : vector<1x2000xf32>
    %sub3A_613 = arith.constant 7.000000e+00 : f32
    %sub3A_614 = vector.broadcast %sub3A_613 : f32 to vector<32x2000xf32>
    %sub3A_615 = arith.subf %floor3A_351, %sub3A_614 : vector<32x2000xf32>
    %eq3A_616 = arith.constant 0.000000e+00 : f32
    %eq3A_617 = vector.broadcast %eq3A_616 : f32 to vector<32x2000xf32>
    %eq3A_618 = arith.cmpf oeq, %sub3A_615, %eq3A_617 : vector<32x2000xf32>
    %eq3A_619 = arith.constant 1.000000e+00 : f32
    %eq3A_620 = vector.broadcast %eq3A_619 : f32 to vector<32x2000xf32>
    %eq3A_621 = arith.cmpf oeq, %sub3A_615, %eq3A_620 : vector<32x2000xf32>
    %eq3A_622 = arith.constant 2.000000e+00 : f32
    %eq3A_623 = vector.broadcast %eq3A_622 : f32 to vector<32x2000xf32>
    %eq3A_624 = arith.cmpf oeq, %sub3A_615, %eq3A_623 : vector<32x2000xf32>
    %eq3A_625 = arith.constant 3.000000e+00 : f32
    %eq3A_626 = vector.broadcast %eq3A_625 : f32 to vector<32x2000xf32>
    %eq3A_627 = arith.cmpf oeq, %sub3A_615, %eq3A_626 : vector<32x2000xf32>
    %jit3A_628 = arith.constant 0.000000e+00 : f32
    %broadcast_in_dim3A_629 = vector.broadcast %jit3A_628 : f32 to vector<32x2000xf32>
    %select_n3A_630 = arith.select %eq3A_627, %add3A_393, %broadcast_in_dim3A_629 : vector<32x2000xi1>, vector<32x2000xf32>
    %select_n3A_631 = arith.select %eq3A_624, %add3A_379, %select_n3A_630 : vector<32x2000xi1>, vector<32x2000xf32>
    %select_n3A_632 = arith.select %eq3A_621, %add3A_368, %select_n3A_631 : vector<32x2000xi1>, vector<32x2000xf32>
    %select_n3A_633 = arith.select %eq3A_618, %mul3A_354, %select_n3A_632 : vector<32x2000xi1>, vector<32x2000xf32>
    %slice3A_634 = vector.extract_strided_slice %get3A_336 {offsets = [7, 0, 0], sizes = [1, 1, 32], strides = [1, 1, 1]} : vector<8x1x32xf32> to vector<1x1x32xf32>
    %squeeze3A_635 = vector.shape_cast %slice3A_634 : vector<1x1x32xf32> to vector<1x32xf32>
    %mul3A_636 = arith.constant 0.166666672 : f32
    %mul3A_637 = vector.broadcast %mul3A_636 : f32 to vector<1x32xf32>
    %mul3A_638 = arith.mulf %get3A_339, %mul3A_637 : vector<1x32xf32>
    %mul3A_639 = arith.mulf %squeeze3A_635, %mul3A_638 : vector<1x32xf32>
    %dot_general3A_640 = arith.constant dense<0.000000e+00> : vector<1x2000xf32>
    %dot_general3A_641 = tpu.matmul %mul3A_639, %select_n3A_633, %dot_general3A_640 {dimension_numbers = #tpu.dot_dimension_numbers<[1], [0], [0], [1], [0, 0, 1, 1], [], []>, transpose_lhs_hint = false} : vector<1x32xf32>, vector<32x2000xf32>, vector<1x2000xf32> -> vector<1x2000xf32>
    %add3A_642 = arith.addf %add3A_612, %dot_general3A_641 : vector<1x2000xf32>
    %broadcast_in_dim3A_643 = vector.shape_cast %add3A_642 : vector<1x2000xf32> to vector<1x1x2000xf32>
    %swap3A = arith.constant 0 : index
    %swap3A_644 = arith.constant 0 : index
    %swap3A_645 = arith.constant 0 : index
    %swap3A_646 = vector.load %arg13[%swap3A, %swap3A_644, %swap3A_645] : memref<1x1x2000xf32, #tpu.memory_space<vmem>>, vector<1x1x2000xf32>
    tpu.vector_store %arg13[%swap3A, %swap3A_644, %swap3A_645], %broadcast_in_dim3A_643 {strides = array<i32>} : memref<1x1x2000xf32, #tpu.memory_space<vmem>>, vector<1x1x2000xf32>,
    return
  }
  func.func @transform_0(%arg0: i32) -> (i32, i32, i32) {
    %c0_i32 = arith.constant 0 : i32
    %c0_i32_0 = arith.constant 0 : i32
    %c0_i32_1 = arith.constant 0 : i32
    return %c0_i32, %arg0, %c0_i32_0 : i32, i32, i32
  }
  func.func @transform_1(%arg0: i32) -> (i32, i32) {
    %c0_i32 = arith.constant 0 : i32
    %c0_i32_0 = arith.constant 0 : i32
    return %arg0, %c0_i32 : i32, i32
  }
  func.func @transform_2(%arg0: i32) -> (i32, i32) {
    %c0_i32 = arith.constant 0 : i32
    %c0_i32_0 = arith.constant 0 : i32
    return %arg0, %c0_i32 : i32, i32
  }
  func.func @transform_3(%arg0: i32) -> (i32, i32) {
    %c0_i32 = arith.constant 0 : i32
    %c0_i32_0 = arith.constant 0 : i32
    %c0_i32_1 = arith.constant 0 : i32
    return %c0_i32, %c0_i32_0 : i32, i32
  }
  func.func @transform_4(%arg0: i32) -> (i32, i32) {
    %c0_i32 = arith.constant 0 : i32
    %c0_i32_0 = arith.constant 0 : i32
    %c0_i32_1 = arith.constant 0 : i32
    return %c0_i32, %c0_i32_0 : i32, i32
  }
  func.func @transform_5(%arg0: i32) -> (i32, i32) {
    %c0_i32 = arith.constant 0 : i32
    %c0_i32_0 = arith.constant 0 : i32
    %c0_i32_1 = arith.constant 0 : i32
    return %c0_i32, %c0_i32_0 : i32, i32
  }
  func.func @transform_6(%arg0: i32) -> (i32, i32, i32) {
    %c0_i32 = arith.constant 0 : i32
    %c0_i32_0 = arith.constant 0 : i32
    %c0_i32_1 = arith.constant 0 : i32
    %c0_i32_2 = arith.constant 0 : i32
    return %c0_i32, %c0_i32_0, %c0_i32_1 : i32, i32, i32
  }
  func.func @transform_7(%arg0: i32) -> (i32, i32) {
    %c0_i32 = arith.constant 0 : i32
    %c0_i32_0 = arith.constant 0 : i32
    %c0_i32_1 = arith.constant 0 : i32
    return %c0_i32, %c0_i32_0 : i32, i32
  }
  func.func @transform_8(%arg0: i32) -> (i32, i32) {
    %c0_i32 = arith.constant 0 : i32
    %c0_i32_0 = arith.constant 0 : i32
    %c0_i32_1 = arith.constant 0 : i32
    return %c0_i32, %c0_i32_0 : i32, i32
  }
  func.func @transform_9(%arg0: i32) -> (i32, i32) {
    %c0_i32 = arith.constant 0 : i32
    %c0_i32_0 = arith.constant 0 : i32
    %c0_i32_1 = arith.constant 0 : i32
    return %c0_i32, %c0_i32_0 : i32, i32
  }
  func.func @transform_10(%arg0: i32) -> (i32, i32, i32) {
    %c0_i32 = arith.constant 0 : i32
    %c0_i32_0 = arith.constant 0 : i32
    %c0_i32_1 = arith.constant 0 : i32
    %c0_i32_2 = arith.constant 0 : i32
    return %c0_i32, %c0_i32_0, %c0_i32_1 : i32, i32, i32
  }
  func.func @transform_11(%arg0: i32) -> (i32, i32) {
    %c0_i32 = arith.constant 0 : i32
    %c0_i32_0 = arith.constant 0 : i32
    %c0_i32_1 = arith.constant 0 : i32
    return %c0_i32, %c0_i32_0 : i32, i32
  }
  func.func @transform_12(%arg0: i32) -> (i32, i32, i32) {
    %c0_i32 = arith.constant 0 : i32
    %c0_i32_0 = arith.constant 0 : i32
    %c0_i32_1 = arith.constant 0 : i32
    return %arg0, %c0_i32, %c0_i32_0 : i32, i32, i32
  }
}

</mosaic_0001>

<sc_bundles>
// kernel: kernel.6.cloned.1.call-start
scs
__scs_entry_jumppad:
0x0: {  	(pc) =	sbr.rel $0x88, $3  }
0x1: {  	(tag) =	ssettag $0x0;
	lr =	simm.s32 $0x1  }
0x2: {  	[smem:$0x3F95] =	sst lr;
	_ =	strace $0xD0000000  }
0x3: {  	_ = 	snop  }
0x4: {  	_ = 	snop  }
0x5: {  	_ = 	snop  }
0x6: {  	_ = 	snop  }
0x7: {  	_ = 	snop  }
__scs_overlays_trampoline_lowered:
0x8: {  	[smem:$0x3FA4] =	sst s0  }
0x9: {  	[smem:$0x3FA5] =	sst s1  }
0xa: {  	[smem:$0x3FA6] =	sst s2  }
0xb: {  	[smem:$0x3FA7] =	sst s3  }
0xc: {  	[smem:$0x3FA8] =	sst s4  }
0xd: {  	[smem:$0x3FA9] =	sst s5  }
0xe: {  	[smem:$0x3FAA] =	sst s6  }
0xf: {  	[smem:$0x3FAB] =	sst s7  }
0x10: {  	[smem:$0x3FAC] =	sst s8  }
0x11: {  	[smem:$0x3FAD] =	sst s9;
	s0 =	simm.s32 @!p0 $0x0  }
0x12: {  	s1 =	sld [smem:$0x3F93];
	s0 =	simm.s32 @p0 $0x1  }
0x13: {  	[smem:$0x3FAE] =	sst s0;
	s0 =	simm.s32 @!p1 $0x0  }
0x14: {  	s2 =	sld [smem:$0x3F92];
	s0 =	simm.s32 @p1 $0x1  }
0x15: {  	[smem:$0x3FAF] =	sst s0;
	s0 =	simm.s32 @!p2 $0x0  }
0x16: {  	s3 =	sld [smem:$0x3FDB];
	s0 =	simm.s32 @p2 $0x1  }
0x17: {  	s4 =	simm.s32 $0x1BF5;
	[smem:$0x3FB1] =	sst s0  }
0x18: {  	s0 =	sld [smem:$0x3F94];
	_ =	swait.ge [sflag:s4], $0x0  }
0x19: {  	s7 =	sld [smem:$0x3F95]  }
0x1a: {  	s8 =	sadd.s32 $0xFFFFE003, lr  }
0x1b: {  	s9 =	sadd.s32 $0xFFFFFEF7, lr;
	s5 =	simm.s32 $0xFFFFFFFF;
	p2 =	slt.u32 s8, $0xFFFFF086  }
0x1c: {  	p1 =	slt.u32 s9, $0xF7A;
	s5 =	simm.s32 @!p2 $0x0  }
0x1d: {  	s5 =	simm.s32 @p1 $0x1;
	p0 =	seq.s32 s7, s2  }
0x1e: {  	s7 =	smul.u32 @!p0 $0xF7A, s2;
	p2 =	seq.s32 @!p0 s5, $0x0  }
0x1f: {  	s9 =	smul.u32 $0xF7A, s1;
	s8 =	simm.s32 @!p0 $0x1BF5;
	p2 =	por !p2, p0  }
0x20: {  	[sflag:s8] =	ssyncset.s32 @!p0 $0xFFFFF086;
	s6 =	sadd.s32 @!p0 s3, s7;
	s7 =	simm.s32 @!p0 $0x108  }
0x21: {  	s3 =	sadd.s32 s3, s9;
	s6 =	sadd.s32 @!p0 $0x88, s6;
	s7 =	simm.s32 @p2 $0x1082  }
0x22: {  	[simem:s7], [sflag:s8] =	dma.local @!p0 [hbm:s6], $0xF7A  }
0x23: {  	s9 =	sor.u32 $0xD0000000, s2;
	s6 =	simm.s32 $0x108;
	_ =	swait.ge @!p0 [sflag:s8], $0x0  }
0x24: {  	s3 =	sadd.s32 $0x88, s3;
	s6 =	simm.s32 @!p1 $0x1082;
	[sflag:s4] =	ssyncset.s32 $0xFFFFF086  }
0x25: {  	[simem:s6], [sflag:s4] =	dma.local [hbm:s3], $0xF7A  }
0x26: {  	[smem:$0x3F95] =	sst s1;
	(tag) =	ssettag s2;
	_ =	strace s9  }
0x27: {  	s1 =	sld [smem:$0x3FA5]  }
0x28: {  	s2 =	sld [smem:$0x3FA6]  }
0x29: {  	s4 =	sld [smem:$0x3FA8]  }
0x2a: {  	p0 =	seq.s32 s5, $0x0;
	s5 =	sld [smem:$0x3FA9]  }
0x2b: {  	s6 =	sld [smem:$0x3FAA]  }
0x2c: {  	s7 =	sld [smem:$0x3FAB]  }
0x2d: {  	s3 =	simm.s32 $0x108;
	s8 =	sld [smem:$0x3FAC]  }
0x2e: {  	s3 =	simm.s32 @!p0 $0x1082;
	s9 =	sld [smem:$0x3FAD]  }
0x2f: {  	lr =	sadd.s32 s0, s3;
	s0 =	sld [smem:$0x3FA4]  }
0x30: {  	s3 =	sld [smem:$0x3FA7]  }
0x31: {  	[smem:$0x3FB0] =	sst s10  }
0x32: {  	s10 =	sld [smem:$0x3FAE];
	_ =	sdelay $0x3  }
0x33: {  	p0 =	seq.s32 s10, $0x1;
	s10 =	sld [smem:$0x3FB0];
	_ =	sdelay $0x3  }
0x34: {  	[smem:$0x3FB0] =	sst s10  }
0x35: {  	s10 =	sld [smem:$0x3FAF];
	_ =	sdelay $0x3  }
0x36: {  	p1 =	seq.s32 s10, $0x1;
	s10 =	sld [smem:$0x3FB0];
	_ =	sdelay $0x3  }
0x37: {  	[smem:$0x3FB0] =	sst s10  }
0x38: {  	s10 =	sld [smem:$0x3FB1]  }
0x39: {  	_ = 	snop;
	(pc) =	sbr.ind lr, $3  }
0x3a: {  	_ = 	snop  }
0x3b: {  	_ = 	snop  }
0x3c: {  	p2 =	seq.s32 s10, $0x1;
	s10 =	sld [smem:$0x3FB0]  }
0x3d: {  	_ =	shalt  }
0x3e: {  	_ =	shalt  }
0x3f: {  	_ =	shalt  }
0x40: {  	_ =	shalt  }
0x41: {  	_ =	shalt  }
0x42: {  	_ =	shalt  }
0x43: {  	_ =	shalt  }
0x44: {  	_ =	shalt  }
0x45: {  	_ =	shalt  }
0x46: {  	_ =	shalt  }
0x47: {  	_ =	shalt  }
0x48: {  	_ =	shalt  }
0x49: {  	_ =	shalt  }
0x4a: {  	_ =	shalt  }
0x4b: {  	_ =	shalt  }
0x4c: {  	_ =	shalt  }
0x4d: {  	_ =	shalt  }
0x4e: {  	_ =	shalt  }
0x4f: {  	_ =	shalt  }
0x50: {  	_ =	shalt  }
0x51: {  	_ =	shalt  }
0x52: {  	_ =	shalt  }
0x53: {  	_ =	shalt  }
0x54: {  	_ =	shalt  }
0x55: {  	_ =	shalt  }
0x56: {  	_ =	shalt  }
0x57: {  	_ =	shalt  }
0x58: {  	_ =	shalt  }
0x59: {  	_ =	shalt  }
0x5a: {  	_ =	shalt  }
0x5b: {  	_ =	shalt  }
0x5c: {  	_ =	shalt  }
0x5d: {  	_ =	shalt  }
0x5e: {  	_ =	shalt  }
0x5f: {  	_ =	shalt  }
0x60: {  	_ =	shalt  }
0x61: {  	_ =	shalt  }
0x62: {  	_ =	shalt  }
0x63: {  	_ =	shalt  }
0x64: {  	_ =	shalt  }
0x65: {  	_ =	shalt  }
0x66: {  	_ =	shalt  }
0x67: {  	_ =	shalt  }
0x68: {  	_ =	shalt  }
0x69: {  	_ =	shalt  }
0x6a: {  	_ =	shalt  }
0x6b: {  	_ =	shalt  }
0x6c: {  	_ =	shalt  }
0x6d: {  	_ =	shalt  }
0x6e: {  	_ =	shalt  }
0x6f: {  	_ =	shalt  }
0x70: {  	_ =	shalt  }
0x71: {  	_ =	shalt  }
0x72: {  	_ =	shalt  }
0x73: {  	_ =	shalt  }
0x74: {  	_ =	shalt  }
0x75: {  	_ =	shalt  }
0x76: {  	_ =	shalt  }
0x77: {  	_ =	shalt  }
0x78: {  	_ =	shalt  }
0x79: {  	_ =	shalt  }
0x7a: {  	_ =	shalt  }
0x7b: {  	_ =	shalt  }
0x7c: {  	_ =	shalt  }
0x7d: {  	_ =	shalt  }
0x7e: {  	_ =	shalt  }
0x7f: {  	_ =	shalt  }
0x80: {  	_ =	shalt  }
0x81: {  	_ =	shalt  }
0x82: {  	_ =	shalt  }
0x83: {  	_ =	shalt  }
0x84: {  	_ =	shalt  }
0x85: {  	_ =	shalt  }
0x86: {  	_ =	shalt  }
0x87: {  	_ =	shalt  }
.Lfunc_end0:
.L_simem_size_0:
called_computation_lowered:
.L_overlay_start_0:
0x88: {  	s2 =	sld [smem:$0x3FD9]  }
0x89: {  	s3 =	sld [smem:$0x3FFE];
	_ =	sdelay $0x1  }
0x8a: {  	s1 =	srdreg.scid  }
0x8b: {  	s0 =	sand.u32 $0x1, s1  }
0x8c: {  	s16 =	sshll.u32 s0, $0xA;
	s2 =	sadd.s32 s3, s2  }
0x8d: {  	s2 =	sadd.s32 s2, s16  }
0x8e: {  	[smem:$0x3FBC] =	sst s2  }
0x8f: {  	_ = 	snop  }
0x90: {  	(tm) =	ssettm $0x1  }
0x91: {  	s17 =	sld [smem:$0x3FFB];
	_ =	sdelay $0x3  }
0x92: {  	_ =	strace s17  }
0x93: {  	s2 =	sld [smem:$0x3FFC];
	_ =	sdelay $0x3  }
0x94: {  	_ =	strace s2  }
0x95: {  	s2 =	sld [smem:$0x3FFD];
	_ =	sdelay $0x3  }
0x96: {  	_ =	strace s2  }
0x97: {  	_ =	strace $0x8FFFFFFF  }
0x98: {  	s18 =	sld [smem:$0x3FDB];
	_ =	sdelay $0x1  }
0x99: {  	s19 =	simm.s32 $_scs_section_size  }
0x9a: {  	s4 =	simm.s32 $_size__tile_overlayer_lowered;
	s5 =	simm.s32 $_tile_overlayer_lowered  }
0x9b: {  	s22 =	simm.s32 $0x1BFF;
	s21 =	sshll.u32 s5, $0x1;
	s2 =	sadd.s32 s19, s18  }
0x9c: {  	s6 =	simm.s32 $0x0;
	s20 =	sshll.u32 s4, $0x1;
	s4 =	sadd.s32 s21, s2  }
0x9d: {  	[timem:s6], [sflag:s22] =	dma.local [hbm:s4], s20  }
0x9e: {  	_ =	swait.ge [sflag:s22], s20  }
0x9f: {  	s3 =	ssub.s32 $0x0, s20;
	[sflag:s22] =	ssyncset.done $0x0  }
0xa0: {  	[sflag:s22] =	ssyncadd.s32 s3;
	_ =	sdelay $0x1  }
0xa1: {  	s23 =	simm.s32 $0x1B8B  }
0xa2: {  	_ =	swait.ge [sflag:s23], $0x1  }
0xa3: {  	[sflag:s23] =	ssyncset.done $0x0  }
0xa4: {  	s25 =	simm.s32 $0x1B8E;
	s24 =	sld [smem:$0x3FFE];
	[sflag:s23] =	ssyncadd.s32 $0xFFFFFFFF  }
0xa5: {  	s26 =	simm.s32 $execute0_lowered;
	[smem:$0x3FD2] =	sst s25  }
0xa6: {  	s4 =	sshll.u32 s26, $0x1;
	_ =	strace $0x80000046;
	[dreg:$0x1] =	wrdreg $0xFFFFFFFF  }
0xa7: {  	s28 =	simm.s32 $_size_execute0_lowered;
	s2 =	sadd.s32 s2, s4;
	[dreg:$0x0] =	wrdreg $0x0  }
0xa8: {  	s4 =	sshll.u32 s28, $0x1;
	[dreg:$0x2] =	wrdreg s2  }
0xa9: {  	[dreg:$0x3] =	wrdreg s4  }
0xaa: {  	[dreg:$0x4] =	wrdreg $0xC0  }
0xab: {  	_ =	task [dreg:s6], $0x5FFFF  }
0xac: {  	[dreg:$0x1] =	wrdreg $0xFFFFFFFF  }
0xad: {  	[dreg:$0x0] =	wrdreg $0x60  }
0xae: {  	[dreg:$0x2] =	wrdreg s24  }
0xaf: {  	[dreg:$0x3] =	wrdreg $0x9  }
0xb0: {  	_ =	task.clear_ibuf [dreg:s6], $0x4FFFF;
	_ =	strace $0x90000046  }
0xb1: {  	s29 =	simm.s32 $0x9;
	_ =	strace $0x80000048  }
0xb2: {  	_ =	swait.ge [sflag:s29], $0x1  }
0xb3: {  	[sflag:s29] =	ssyncadd.s32 $0xFFFFFFFF  }
0xb4: {  	_ =	strace $0x90000048  }
0xb5: {  	_ =	sfence  }
0xb6: {  	s30 =	sld [smem:$0x0];
	_ =	sdelay $0x2  }
0xb7: {  	s31 =	sshll.u32 s1, $0xD;
	s1 =	sshrl.u32 s1, $0x2  }
0xb8: {  	s3 =	sand.u32 $0x4000, s31;
	s1 =	sadd.s32 s1, s30  }
0xb9: {  	s0 =	sor.u32 s3, s0;
	s1 =	sshll.u32 s1, $0x11  }
0xba: {  	s0 =	sor.u32 s1, s0  }
0xbb: {  	s0 =	sadd.s32 $0x8F2B, s0  }
0xbc: {  	[sflag:s0] =	ssyncadd.remote.s32 $0x1  }
0xbd: {  	_ =	sfence.sel $0xFFFF  }
0xbe: {  	[dreg:$0x0] =	wrdreg $0xFFFFFFFF;
	(pc) =	sbr.abs _section_cstart, $3  }
0xbf: {  	[dreg:$0x1] =	wrdreg $0xFFFFFFFF  }
0xc0: {  	_ =	task.clear_ibuf [dreg:s6], $0x2FFFF;
	_ =	strace $0x9FFFFFFF  }
0xc1: {  	(tm) =	ssettm $0x7FFFFFFF  }
tec
execute0_lowered:
.L_overlay_start_1:
0x0: {  	(tag) =	ssettag $0x1  }
0x1: {  	s0 =	srdreg.scid  }
0x2: {  	s3 =	sand.u32 $0x1, s0  }
0x3: {  	s0 =	stileid.u32;
	s1 =	sshll.u32 s3, $0x4  }
0x4: {  	s4 =	rddreg [dreg:$0x0];
	s2 =	simm.s32 $0x0;
	s1 =	sor.u32 s0, s1  }
0x5: {  	s7 =	simm.s32 $0x2710;
	s3 =	ssub.s32 $0x2, s3;
	s5 =	smul.u32 $0x2710, s1  }
0x6: {  	s8 =	simm.s32 $0x0;
	[smem:$0x7FF] =	sst s2;
	s6 =	sshrl.u32 s3, $0x1  }
0x7: {  	s1 =	rddreg [dreg:$0x1];
	_ =	strace $0x80000047;
	s5 =	sshrl.u32 s5, $0x3  }
0x8: {  	s31 =	ssub.s32 s3, s6;
	s6 =	simm.s32 $0x1;
	s4 =	sadd.s32 s5, s4  }
0x9: {  	v0 =	vimm.f32 $0.0e+00;
	v1 =	vimm.f32 $1.000000000e+00;
	s5 =	smax.u32 s31, $0x1;
	s3 =	sadd.s32 $0xBE40, s4;
	s4 =	sadd.s32 $0x15C00, s4  }
.LBB2_1:
0xa: {  	s9 =	simm.s32 $0x40;
	s10 =	simm.s32 $0x0  }
.LBB2_2:
0xb: {  	p0 =	sne.s32 s9, $0x9C00;
	[tilespmem:s10+$0x2710] =	vst v0;
	s10 =	smov.u32 s9;
	s9 =	sadd.s32 $0x40, s9  }
.Ltmp0:
0xc: {  	(pc) =	sbr.rel @p0 .LBB2_2-.Ltmp0, $2  }
0xd: {  	_ =	sdelay $0x2  }
0xe: {  	s10 =	sshra.s32 s10, $0x2  }
0xf: {  	[tilespmem:s10+$0x2710] =	vst v0;
	s9 =	simm.s32 $0x0  }
0x10: {  	[tilespmem:s9], [sflag:$0x1] =	stream.linear.gather [hbm4b:s3+s9], $0x2710, $0x38;
	[tilespmem:$0x4E20] =	vst v63  }
0x11: {  	_ =	swait.ge [sflag:s6], $0x2710  }
0x12: {  	[sflag:s6] =	ssyncset.done $0x0  }
0x13: {  	s10 =	simm.s32 $0x0;
	s9 =	simm.s32 $0x40;
	[sflag:s6] =	ssyncadd.s32 $0xFFFFD8F0  }
.LBB2_4:
0x14: {  	p0 =	sne.s32 s9, $0x9C00;
	v2 =	vld [tilespmem:s10+$0x0];
	_ =	sdelay $0x3  }
.Ltmp1:
0x15: {  	(pc) =	sbr.rel @p0 .LBB2_4-.Ltmp1, $2  }
0x16: {  	_ =	sdelay $0x2  }
0x17: {  	s10 =	sshra.s32 s9, $0x2;
	s9 =	sadd.s32 $0x40, s9;
	[tilespmem:v2+s7+$0x0] =	vst.idx.add.f32.msk $0xffff, v1  }
0x18: {  	v2 =	vld [tilespmem:s10+$0x0];
	_ =	sdelay $0x5  }
0x19: {  	s8 =	sadd.s32 $0x1, s8  }
0x1a: {  	p0 =	sne.s32 s8, s5  }
.Ltmp2:
0x1b: {  	[tilespmem:v2+s7+$0x0] =	vst.idx.add.f32.msk $0xffff, v1;
	(pc) =	sbr.rel @p0 .LBB2_1-.Ltmp2, $4  }
0x1c: {  	[hbm4b:s4+s2] =	stream.linear.scatter [tilespmem:s7], [sflag:$0x1], $0x2710, $0x38;
	[tilespmem:$0x4E20] =	vst v63  }
0x1d: {  	_ =	swait.ge [sflag:s6], $0x2710  }
0x1e: {  	[sflag:s6] =	ssyncset.done $0x0  }
0x1f: {  	[sflag:s6] =	ssyncadd.s32 $0xFFFFD8F0  }
0x20: {  	_ =	sfence.sel $0x180000  }
0x21: {  	[bflag:$0x0] =	sbarrier.arrive $0xFFFF  }
0x22: {  	p0 =	sne.s32 s0, $0x0;
	_ =	strace $0x90000047  }
0x23: {  	s0 =	sadd.s32 @!p0 $0x100000, s1;
	[bflag:$0x2] =	sbarrier.arrive $0xFFFF  }
0x24: {  	[sflag:s0] =	ssyncadd.tile.s32 @!p0 $0x1;
	_ =	shalt  }
.Lfunc_end2:
_tile_overlayer_lowered:
.L_overlay_start_2:
0x25: {  	(tag) =	ssettag $0x2  }
0x26: {  	s0 =	rddreg [dreg:$0x0];
	s2 =	stileid.u32  }
0x27: {  	s1 =	rddreg [dreg:$0x1];
	p0 =	sne.s32 s2, $0x0  }
0x28: {  	s3 =	rddreg [dreg:$0x2];
	[bflag:$0x3] =	sbarrier.arrive $0xFFFF;
	s2 =	simm.s32 @!p0 $0x1C01  }
0x29: {  	[timem:s3], [sflag:s2] =	dma.local @!p0 [hbm:s0], s1  }
0x2a: {  	s0 =	simm.s32 @!p0 $0x1  }
0x2b: {  	_ =	swait.ge @!p0 [sflag:s0], s1  }
0x2c: {  	s1 =	ssub.s32 @!p0 $0x0, s1;
	[sflag:s0] =	ssyncset.done @!p0 $0x0  }
0x2d: {  	[sflag:s0] =	ssyncadd.s32 @!p0 s1  }
0x2e: {  	[bflag:$0x3] =	sbarrier.arrive $0xFFFF  }
0x2f: {  	_ =	shalt  }

// kernel: kernel.9.cloned.1.call-start
scs
__scs_entry_jumppad:
0x0: {  	(pc) =	sbr.rel $0x88, $3  }
0x1: {  	(tag) =	ssettag $0x0;
	lr =	simm.s32 $0x1  }
0x2: {  	[smem:$0x3F95] =	sst lr;
	_ =	strace $0xD0000000  }
0x3: {  	_ = 	snop  }
0x4: {  	_ = 	snop  }
0x5: {  	_ = 	snop  }
0x6: {  	_ = 	snop  }
0x7: {  	_ = 	snop  }
__scs_overlays_trampoline_lowered:
0x8: {  	[smem:$0x3FA4] =	sst s0  }
0x9: {  	[smem:$0x3FA5] =	sst s1  }
0xa: {  	[smem:$0x3FA6] =	sst s2  }
0xb: {  	[smem:$0x3FA7] =	sst s3  }
0xc: {  	[smem:$0x3FA8] =	sst s4  }
0xd: {  	[smem:$0x3FA9] =	sst s5  }
0xe: {  	[smem:$0x3FAA] =	sst s6  }
0xf: {  	[smem:$0x3FAB] =	sst s7  }
0x10: {  	[smem:$0x3FAC] =	sst s8  }
0x11: {  	[smem:$0x3FAD] =	sst s9;
	s0 =	simm.s32 @!p0 $0x0  }
0x12: {  	s1 =	sld [smem:$0x3F93];
	s0 =	simm.s32 @p0 $0x1  }
0x13: {  	[smem:$0x3FAE] =	sst s0;
	s0 =	simm.s32 @!p1 $0x0  }
0x14: {  	s2 =	sld [smem:$0x3F92];
	s0 =	simm.s32 @p1 $0x1  }
0x15: {  	[smem:$0x3FAF] =	sst s0;
	s0 =	simm.s32 @!p2 $0x0  }
0x16: {  	s3 =	sld [smem:$0x3FDB];
	s0 =	simm.s32 @p2 $0x1  }
0x17: {  	s4 =	simm.s32 $0x1BF5;
	[smem:$0x3FB1] =	sst s0  }
0x18: {  	s0 =	sld [smem:$0x3F94];
	_ =	swait.ge [sflag:s4], $0x0  }
0x19: {  	s7 =	sld [smem:$0x3F95]  }
0x1a: {  	s8 =	sadd.s32 $0xFFFFE003, lr  }
0x1b: {  	s9 =	sadd.s32 $0xFFFFFEF7, lr;
	s5 =	simm.s32 $0xFFFFFFFF;
	p2 =	slt.u32 s8, $0xFFFFF086  }
0x1c: {  	p1 =	slt.u32 s9, $0xF7A;
	s5 =	simm.s32 @!p2 $0x0  }
0x1d: {  	s5 =	simm.s32 @p1 $0x1;
	p0 =	seq.s32 s7, s2  }
0x1e: {  	s7 =	smul.u32 @!p0 $0xF7A, s2;
	p2 =	seq.s32 @!p0 s5, $0x0  }
0x1f: {  	s9 =	smul.u32 $0xF7A, s1;
	s8 =	simm.s32 @!p0 $0x1BF5;
	p2 =	por !p2, p0  }
0x20: {  	[sflag:s8] =	ssyncset.s32 @!p0 $0xFFFFF086;
	s6 =	sadd.s32 @!p0 s3, s7;
	s7 =	simm.s32 @!p0 $0x108  }
0x21: {  	s3 =	sadd.s32 s3, s9;
	s6 =	sadd.s32 @!p0 $0x88, s6;
	s7 =	simm.s32 @p2 $0x1082  }
0x22: {  	[simem:s7], [sflag:s8] =	dma.local @!p0 [hbm:s6], $0xF7A  }
0x23: {  	s9 =	sor.u32 $0xD0000000, s2;
	s6 =	simm.s32 $0x108;
	_ =	swait.ge @!p0 [sflag:s8], $0x0  }
0x24: {  	s3 =	sadd.s32 $0x88, s3;
	s6 =	simm.s32 @!p1 $0x1082;
	[sflag:s4] =	ssyncset.s32 $0xFFFFF086  }
0x25: {  	[simem:s6], [sflag:s4] =	dma.local [hbm:s3], $0xF7A  }
0x26: {  	[smem:$0x3F95] =	sst s1;
	(tag) =	ssettag s2;
	_ =	strace s9  }
0x27: {  	s1 =	sld [smem:$0x3FA5]  }
0x28: {  	s2 =	sld [smem:$0x3FA6]  }
0x29: {  	s4 =	sld [smem:$0x3FA8]  }
0x2a: {  	p0 =	seq.s32 s5, $0x0;
	s5 =	sld [smem:$0x3FA9]  }
0x2b: {  	s6 =	sld [smem:$0x3FAA]  }
0x2c: {  	s7 =	sld [smem:$0x3FAB]  }
0x2d: {  	s3 =	simm.s32 $0x108;
	s8 =	sld [smem:$0x3FAC]  }
0x2e: {  	s3 =	simm.s32 @!p0 $0x1082;
	s9 =	sld [smem:$0x3FAD]  }
0x2f: {  	lr =	sadd.s32 s0, s3;
	s0 =	sld [smem:$0x3FA4]  }
0x30: {  	s3 =	sld [smem:$0x3FA7]  }
0x31: {  	[smem:$0x3FB0] =	sst s10  }
0x32: {  	s10 =	sld [smem:$0x3FAE];
	_ =	sdelay $0x3  }
0x33: {  	p0 =	seq.s32 s10, $0x1;
	s10 =	sld [smem:$0x3FB0];
	_ =	sdelay $0x3  }
0x34: {  	[smem:$0x3FB0] =	sst s10  }
0x35: {  	s10 =	sld [smem:$0x3FAF];
	_ =	sdelay $0x3  }
0x36: {  	p1 =	seq.s32 s10, $0x1;
	s10 =	sld [smem:$0x3FB0];
	_ =	sdelay $0x3  }
0x37: {  	[smem:$0x3FB0] =	sst s10  }
0x38: {  	s10 =	sld [smem:$0x3FB1]  }
0x39: {  	_ = 	snop;
	(pc) =	sbr.ind lr, $3  }
0x3a: {  	_ = 	snop  }
0x3b: {  	_ = 	snop  }
0x3c: {  	p2 =	seq.s32 s10, $0x1;
	s10 =	sld [smem:$0x3FB0]  }
0x3d: {  	_ =	shalt  }
0x3e: {  	_ =	shalt  }
0x3f: {  	_ =	shalt  }
0x40: {  	_ =	shalt  }
0x41: {  	_ =	shalt  }
0x42: {  	_ =	shalt  }
0x43: {  	_ =	shalt  }
0x44: {  	_ =	shalt  }
0x45: {  	_ =	shalt  }
0x46: {  	_ =	shalt  }
0x47: {  	_ =	shalt  }
0x48: {  	_ =	shalt  }
0x49: {  	_ =	shalt  }
0x4a: {  	_ =	shalt  }
0x4b: {  	_ =	shalt  }
0x4c: {  	_ =	shalt  }
0x4d: {  	_ =	shalt  }
0x4e: {  	_ =	shalt  }
0x4f: {  	_ =	shalt  }
0x50: {  	_ =	shalt  }
0x51: {  	_ =	shalt  }
0x52: {  	_ =	shalt  }
0x53: {  	_ =	shalt  }
0x54: {  	_ =	shalt  }
0x55: {  	_ =	shalt  }
0x56: {  	_ =	shalt  }
0x57: {  	_ =	shalt  }
0x58: {  	_ =	shalt  }
0x59: {  	_ =	shalt  }
0x5a: {  	_ =	shalt  }
0x5b: {  	_ =	shalt  }
0x5c: {  	_ =	shalt  }
0x5d: {  	_ =	shalt  }
0x5e: {  	_ =	shalt  }
0x5f: {  	_ =	shalt  }
0x60: {  	_ =	shalt  }
0x61: {  	_ =	shalt  }
0x62: {  	_ =	shalt  }
0x63: {  	_ =	shalt  }
0x64: {  	_ =	shalt  }
0x65: {  	_ =	shalt  }
0x66: {  	_ =	shalt  }
0x67: {  	_ =	shalt  }
0x68: {  	_ =	shalt  }
0x69: {  	_ =	shalt  }
0x6a: {  	_ =	shalt  }
0x6b: {  	_ =	shalt  }
0x6c: {  	_ =	shalt  }
0x6d: {  	_ =	shalt  }
0x6e: {  	_ =	shalt  }
0x6f: {  	_ =	shalt  }
0x70: {  	_ =	shalt  }
0x71: {  	_ =	shalt  }
0x72: {  	_ =	shalt  }
0x73: {  	_ =	shalt  }
0x74: {  	_ =	shalt  }
0x75: {  	_ =	shalt  }
0x76: {  	_ =	shalt  }
0x77: {  	_ =	shalt  }
0x78: {  	_ =	shalt  }
0x79: {  	_ =	shalt  }
0x7a: {  	_ =	shalt  }
0x7b: {  	_ =	shalt  }
0x7c: {  	_ =	shalt  }
0x7d: {  	_ =	shalt  }
0x7e: {  	_ =	shalt  }
0x7f: {  	_ =	shalt  }
0x80: {  	_ =	shalt  }
0x81: {  	_ =	shalt  }
0x82: {  	_ =	shalt  }
0x83: {  	_ =	shalt  }
0x84: {  	_ =	shalt  }
0x85: {  	_ =	shalt  }
0x86: {  	_ =	shalt  }
0x87: {  	_ =	shalt  }
.Lfunc_end0:
.L_simem_size_0:
called_computation.1_lowered:
.L_overlay_start_0:
0x88: {  	s2 =	sld [smem:$0x3FD9]  }
0x89: {  	s3 =	sld [smem:$0x3FFE];
	_ =	sdelay $0x1  }
0x8a: {  	s1 =	srdreg.scid  }
0x8b: {  	s0 =	sand.u32 $0x1, s1  }
0x8c: {  	s16 =	sshll.u32 s0, $0xA;
	s2 =	sadd.s32 s3, s2  }
0x8d: {  	s2 =	sadd.s32 s2, s16  }
0x8e: {  	[smem:$0x3FBC] =	sst s2  }
0x8f: {  	_ = 	snop  }
0x90: {  	(tm) =	ssettm $0x1  }
0x91: {  	s17 =	sld [smem:$0x3FFB];
	_ =	sdelay $0x3  }
0x92: {  	_ =	strace s17  }
0x93: {  	s2 =	sld [smem:$0x3FFC];
	_ =	sdelay $0x3  }
0x94: {  	_ =	strace s2  }
0x95: {  	s2 =	sld [smem:$0x3FFD];
	_ =	sdelay $0x3  }
0x96: {  	_ =	strace s2  }
0x97: {  	_ =	strace $0x8FFFFFFF  }
0x98: {  	s18 =	sld [smem:$0x3FDB];
	_ =	sdelay $0x1  }
0x99: {  	s19 =	simm.s32 $_scs_section_size  }
0x9a: {  	s4 =	simm.s32 $_size__tile_overlayer_lowered;
	s5 =	simm.s32 $_tile_overlayer_lowered  }
0x9b: {  	s22 =	simm.s32 $0x1BFF;
	s21 =	sshll.u32 s5, $0x1;
	s2 =	sadd.s32 s19, s18  }
0x9c: {  	s6 =	simm.s32 $0x0;
	s20 =	sshll.u32 s4, $0x1;
	s4 =	sadd.s32 s21, s2  }
0x9d: {  	[timem:s6], [sflag:s22] =	dma.local [hbm:s4], s20  }
0x9e: {  	_ =	swait.ge [sflag:s22], s20  }
0x9f: {  	s3 =	ssub.s32 $0x0, s20;
	[sflag:s22] =	ssyncset.done $0x0  }
0xa0: {  	[sflag:s22] =	ssyncadd.s32 s3;
	_ =	sdelay $0x1  }
0xa1: {  	s23 =	simm.s32 $0x1B8B  }
0xa2: {  	_ =	swait.ge [sflag:s23], $0x1  }
0xa3: {  	[sflag:s23] =	ssyncset.done $0x0  }
0xa4: {  	s25 =	simm.s32 $0x1B8E;
	s24 =	sld [smem:$0x3FFE];
	[sflag:s23] =	ssyncadd.s32 $0xFFFFFFFF  }
0xa5: {  	s26 =	simm.s32 $execute0_lowered;
	[smem:$0x3FD2] =	sst s25  }
0xa6: {  	s4 =	sshll.u32 s26, $0x1;
	_ =	strace $0x80000049;
	[dreg:$0x1] =	wrdreg $0xFFFFFFFF  }
0xa7: {  	s28 =	simm.s32 $_size_execute0_lowered;
	s2 =	sadd.s32 s2, s4;
	[dreg:$0x0] =	wrdreg $0x0  }
0xa8: {  	s4 =	sshll.u32 s28, $0x1;
	[dreg:$0x2] =	wrdreg s2  }
0xa9: {  	[dreg:$0x3] =	wrdreg s4  }
0xaa: {  	[dreg:$0x4] =	wrdreg $0xC0  }
0xab: {  	_ =	task [dreg:s6], $0x5FFFF  }
0xac: {  	[dreg:$0x1] =	wrdreg $0xFFFFFFFF  }
0xad: {  	[dreg:$0x0] =	wrdreg $0x60  }
0xae: {  	[dreg:$0x2] =	wrdreg s24  }
0xaf: {  	[dreg:$0x3] =	wrdreg $0xB2200  }
0xb0: {  	[dreg:$0x4] =	wrdreg $0x9  }
0xb1: {  	_ =	task.clear_ibuf [dreg:s6], $0x5FFFF;
	_ =	strace $0x90000049  }
0xb2: {  	s29 =	simm.s32 $0x9;
	_ =	strace $0x8000004B  }
0xb3: {  	_ =	swait.ge [sflag:s29], $0x1  }
0xb4: {  	[sflag:s29] =	ssyncadd.s32 $0xFFFFFFFF  }
0xb5: {  	_ =	strace $0x9000004B  }
0xb6: {  	_ =	sfence  }
0xb7: {  	s30 =	sld [smem:$0x0];
	_ =	sdelay $0x2  }
0xb8: {  	s31 =	sshll.u32 s1, $0xD;
	s1 =	sshrl.u32 s1, $0x2  }
0xb9: {  	s3 =	sand.u32 $0x4000, s31;
	s1 =	sadd.s32 s1, s30  }
0xba: {  	s0 =	sor.u32 s3, s0;
	s1 =	sshll.u32 s1, $0x11  }
0xbb: {  	s0 =	sor.u32 s1, s0  }
0xbc: {  	s0 =	sadd.s32 $0x8F2B, s0  }
0xbd: {  	[sflag:s0] =	ssyncadd.remote.s32 $0x1  }
0xbe: {  	_ =	sfence.sel $0xFFFF  }
0xbf: {  	[dreg:$0x0] =	wrdreg $0xFFFFFFFF;
	(pc) =	sbr.abs _section_cstart, $3  }
0xc0: {  	[dreg:$0x1] =	wrdreg $0xFFFFFFFF  }
0xc1: {  	_ =	task.clear_ibuf [dreg:s6], $0x2FFFF;
	_ =	strace $0x9FFFFFFF  }
0xc2: {  	(tm) =	ssettm $0x7FFFFFFF  }
0xc3: {  	_ =	shalt  }
tec
execute0_lowered:
.L_overlay_start_1:
0x0: {  	(tag) =	ssettag $0x1  }
0x1: {  	s0 =	srdreg.scid  }
0x2: {  	s11 =	stileid.u32;
	s5 =	rddreg [dreg:$0x0]  }
0x3: {  	s2 =	rddreg [dreg:$0x1];
	s3 =	simm.s32 $0x0;
	s10 =	simm.s32 $0xB  }
0x4: {  	s14 =	simm.s32 $0x50;
	s15 =	simm.s32 $0x4E20;
	s16 =	simm.s32 $0x6220  }
0x5: {  	s18 =	simm.s32 $0x7620;
	s20 =	simm.s32 $0x8A20;
	s22 =	simm.s32 $0x9E20  }
0x6: {  	s23 =	simm.s32 $0x1;
	s24 =	simm.s32 $0x2;
	s25 =	simm.s32 $0x3  }
0x7: {  	s28 =	simm.s32 $0x5;
	s29 =	simm.s32 $0x6;
	s30 =	simm.s32 $0x7  }
0x8: {  	s31 =	simm.s32 $0x8;
	s17 =	simm.s32 $0x0;
	s0 =	sand.u32 $0x1, s0  }
0x9: {  	s7 =	smul.u32 $0xFA00, s11;
	[smem:$0x7FF] =	sst s3;
	s1 =	sshll.u32 s0, $0x4  }
0xa: {  	p0 =	sgt.u32 s11, $0x9;
	s4 =	smul.u32 $0x9C400, s0;
	s1 =	sor.u32 s11, s1  }
0xb: {  	_ =	strace $0x8000004A;
	s0 =	ssub.s32 $0x2, s0;
	s1 =	smul.u32 $0x2710, s1  }
0xc: {  	s26 =	sshrl.u32 s0, $0x1;
	s9 =	sshrl.u32 s7, $0x3;
	s4 =	sadd.s32 s7, s4  }
0xd: {  	s0 =	ssub.s32 s0, s26;
	s6 =	sshrl.u32 s4, $0x3;
	s1 =	sshrl.u32 s1, $0x3  }
0xe: {  	s4 =	sadd.s32 $0x15C00, s5;
	s8 =	sadd.s32 s6, s5;
	s1 =	sadd.s32 s1, s5  }
0xf: {  	s5 =	sadd.s32 $0x2200, s1;
	s6 =	sadd.s32 $0xBE40, s1;
	s1 =	sadd.s32 s7, s2  }
0x10: {  	s7 =	sadd.s32 s4, s9;
	s9 =	smax.u32 s0, $0x1;
	s0 =	sshll.u32 @!p0 s11, $0x6  }
0x11: {  	s26 =	simm.s32 $0x4;
	s8 =	sadd.s32 $0x29600, s8;
	s12 =	sor.u32 @!p0 $0x1C0B, s0  }
0x12: {  	s13 =	sshrl.u32 @!p0 s1, $0x3;
	s1 =	simm.s32 $0x9;
	s0 =	simm.s32 $0xA  }
.LBB2_1:
0x13: {  	[tilespmem:s3], [sflag:$0xB] =	stream.linear.gather [hbm4b:s5+s3], $0x2710, $0x38;
	[tilespmem:$0x14E60] =	vst v63  }
0x14: {  	_ =	swait.ge [sflag:s10], $0x2710  }
0x15: {  	[sflag:s10] =	ssyncset.done $0x0  }
0x16: {  	s11 =	simm.s32 $0x2710;
	[sflag:s10] =	ssyncadd.s32 $0xFFFFD8F0  }
0x17: {  	[tilespmem:s11], [sflag:$0xB] =	stream.linear.gather [hbm4b:s6+s3], $0x2710, $0x38;
	[tilespmem:$0x14E60] =	vst v63  }
0x18: {  	_ =	swait.ge [sflag:s10], $0x2710  }
0x19: {  	[sflag:s10] =	ssyncset.done $0x0  }
0x1a: {  	s19 =	simm.s32 @!p0 $0xB;
	[sflag:s10] =	ssyncadd.s32 $0xFFFFD8F0  }
0x1b: {  	[spmem:s13], [sflag:s12] =	dma.local @!p0 [hbm:s7], $0x1F40  }
0x1c: {  	_ =	swait.ge @!p0 [sflag:s19], $0x1F40  }
0x1d: {  	[sflag:s19] =	ssyncset.done @!p0 $0x0  }
0x1e: {  	[sflag:s19] =	ssyncadd.s32 @!p0 $0xFFFFE0C0  }
0x1f: {  	[bflag:$0x0] =	sbarrier.arrive $0xFFFF  }
0x20: {  	[tilespmem:s15], [sflag:$0x1] =	stream.indirect.gather [hbm4b:s4+s14], $0x40, s3, s14, $0xb8;
	[tilespmem:$0x14E60] =	vst v63  }
0x21: {  	_ = 	snop  }
0x22: {  	[tilespmem:s16], [sflag:$0x2] =	stream.indirect.gather [hbm4b:s4+s14], $0x40, s14, s14, $0xb8;
	[tilespmem:$0x14E60] =	vst v63  }
0x23: {  	s19 =	simm.s32 $0xA0  }
0x24: {  	[tilespmem:s18], [sflag:$0x3] =	stream.indirect.gather [hbm4b:s4+s14], $0x40, s19, s14, $0xb8;
	[tilespmem:$0x14E60] =	vst v63  }
0x25: {  	s21 =	simm.s32 $0xF0  }
0x26: {  	[tilespmem:s20], [sflag:$0x4] =	stream.indirect.gather [hbm4b:s4+s14], $0x40, s21, s14, $0xb8;
	[tilespmem:$0x14E60] =	vst v63  }
0x27: {  	s19 =	simm.s32 $0x140  }
0x28: {  	[tilespmem:s22], [sflag:$0x5] =	stream.indirect.gather [hbm4b:s4+s14], $0x40, s19, s14, $0xb8;
	[tilespmem:$0x14E60] =	vst v63  }
0x29: {  	_ =	swait.ge [sflag:s23], $0x1400  }
0x2a: {  	[sflag:s23] =	ssyncset.done $0x0  }
0x2b: {  	s21 =	simm.s32 $0x2710;
	[sflag:s23] =	ssyncadd.s32 $0xFFFFEC00  }
0x2c: {  	[spmem:s2] =	stream.indirect.scatter.add.f32 [tilespmem:s15], [sflag:$0x6], $0x40, s21, s14, $0xb8;
	[tilespmem:$0x14E60] =	vst v63  }
0x2d: {  	_ =	swait.ge [sflag:s24], $0x1400  }
0x2e: {  	[sflag:s24] =	ssyncset.done $0x0  }
0x2f: {  	s11 =	simm.s32 $0x2760;
	[sflag:s24] =	ssyncadd.s32 $0xFFFFEC00  }
0x30: {  	[spmem:s2] =	stream.indirect.scatter.add.f32 [tilespmem:s16], [sflag:$0x7], $0x40, s11, s14, $0xb8;
	[tilespmem:$0x14E60] =	vst v63  }
0x31: {  	_ =	swait.ge [sflag:s25], $0x1400  }
0x32: {  	[sflag:s25] =	ssyncset.done $0x0  }
0x33: {  	s21 =	simm.s32 $0x27B0;
	[sflag:s25] =	ssyncadd.s32 $0xFFFFEC00  }
0x34: {  	[spmem:s2] =	stream.indirect.scatter.add.f32 [tilespmem:s18], [sflag:$0x8], $0x40, s21, s14, $0xb8;
	[tilespmem:$0x14E60] =	vst v63  }
0x35: {  	_ =	swait.ge [sflag:s26], $0x1400  }
0x36: {  	[sflag:s26] =	ssyncset.done $0x0  }
0x37: {  	s11 =	simm.s32 $0x2800;
	[sflag:s26] =	ssyncadd.s32 $0xFFFFEC00  }
0x38: {  	[spmem:s2] =	stream.indirect.scatter.add.f32 [tilespmem:s20], [sflag:$0x9], $0x40, s11, s14, $0xb8;
	[tilespmem:$0x14E60] =	vst v63  }
0x39: {  	_ =	swait.ge [sflag:s28], $0x1400  }
0x3a: {  	[sflag:s28] =	ssyncset.done $0x0  }
0x3b: {  	s21 =	simm.s32 $0x2850;
	[sflag:s28] =	ssyncadd.s32 $0xFFFFEC00  }
0x3c: {  	[spmem:s2] =	stream.indirect.scatter.add.f32 [tilespmem:s22], [sflag:$0xA], $0x40, s21, s14, $0xb8;
	[tilespmem:$0x14E60] =	vst v63  }
0x3d: {  	_ =	swait.ge [sflag:s29], $0x1400  }
0x3e: {  	[sflag:s29] =	ssyncset.done $0x0  }
0x3f: {  	s11 =	simm.s32 $0x190;
	[sflag:s29] =	ssyncadd.s32 $0xFFFFEC00  }
0x40: {  	[tilespmem:s15], [sflag:$0x1] =	stream.indirect.gather [hbm4b:s4+s14], $0x40, s11, s14, $0xb8;
	[tilespmem:$0x14E60] =	vst v63  }
0x41: {  	_ =	swait.ge [sflag:s30], $0x1400  }
0x42: {  	[sflag:s30] =	ssyncset.done $0x0  }
0x43: {  	s21 =	simm.s32 $0x1E0;
	[sflag:s30] =	ssyncadd.s32 $0xFFFFEC00  }
0x44: {  	[tilespmem:s16], [sflag:$0x2] =	stream.indirect.gather [hbm4b:s4+s14], $0x40, s21, s14, $0xb8;
	[tilespmem:$0x14E60] =	vst v63  }
0x45: {  	_ =	swait.ge [sflag:s31], $0x1400  }
0x46: {  	[sflag:s31] =	ssyncset.done $0x0  }
0x47: {  	s11 =	simm.s32 $0x230;
	[sflag:s31] =	ssyncadd.s32 $0xFFFFEC00  }
0x48: {  	[tilespmem:s18], [sflag:$0x3] =	stream.indirect.gather [hbm4b:s4+s14], $0x40, s11, s14, $0xb8;
	[tilespmem:$0x14E60] =	vst v63  }
0x49: {  	_ =	swait.ge [sflag:s1], $0x1400  }
0x4a: {  	[sflag:s1] =	ssyncset.done $0x0  }
0x4b: {  	s21 =	simm.s32 $0x280;
	[sflag:s1] =	ssyncadd.s32 $0xFFFFEC00  }
0x4c: {  	[tilespmem:s20], [sflag:$0x4] =	stream.indirect.gather [hbm4b:s4+s14], $0x40, s21, s14, $0xb8;
	[tilespmem:$0x14E60] =	vst v63  }
0x4d: {  	_ =	swait.ge [sflag:s0], $0x1400  }
0x4e: {  	[sflag:s0] =	ssyncset.done $0x0  }
0x4f: {  	s19 =	simm.s32 $0x640;
	s21 =	simm.s32 $0x2D0;
	[sflag:s0] =	ssyncadd.s32 $0xFFFFEC00  }
.LBB2_2:
0x50: {  	[tilespmem:s22], [sflag:$0x5] =	stream.indirect.gather [hbm4b:s4+s14], $0x40, s21, s14, $0xb8;
	[tilespmem:$0x14E60] =	vst v63  }
0x51: {  	s21 =	smov.u32 s19  }
0x52: {  	p1 =	sne.s32 s19, $0x8FC0;
	s19 =	sadd.s32 $0x640, s19;
	_ =	swait.ge [sflag:s23], $0x1400  }
0x53: {  	s21 =	sshra.s32 s21, $0x2;
	[sflag:s23] =	ssyncset.done $0x0  }
0x54: {  	s11 =	sadd.s32 $0x2710, s21;
	[sflag:s23] =	ssyncadd.s32 $0xFFFFEC00  }
0x55: {  	[spmem:s2] =	stream.indirect.scatter.add.f32 [tilespmem:s15], [sflag:$0x6], $0x40, s11, s14, $0xb8;
	[tilespmem:$0x14E60] =	vst v63  }
0x56: {  	_ =	swait.ge [sflag:s24], $0x1400  }
0x57: {  	[sflag:s24] =	ssyncset.done $0x0  }
0x58: {  	s11 =	sadd.s32 $0x2760, s21;
	[sflag:s24] =	ssyncadd.s32 $0xFFFFEC00  }
0x59: {  	[spmem:s2] =	stream.indirect.scatter.add.f32 [tilespmem:s16], [sflag:$0x7], $0x40, s11, s14, $0xb8;
	[tilespmem:$0x14E60] =	vst v63  }
0x5a: {  	_ =	swait.ge [sflag:s25], $0x1400  }
0x5b: {  	[sflag:s25] =	ssyncset.done $0x0  }
0x5c: {  	s11 =	sadd.s32 $0x27B0, s21;
	[sflag:s25] =	ssyncadd.s32 $0xFFFFEC00  }
0x5d: {  	[spmem:s2] =	stream.indirect.scatter.add.f32 [tilespmem:s18], [sflag:$0x8], $0x40, s11, s14, $0xb8;
	[tilespmem:$0x14E60] =	vst v63  }
0x5e: {  	_ =	swait.ge [sflag:s26], $0x1400  }
0x5f: {  	[sflag:s26] =	ssyncset.done $0x0  }
0x60: {  	s11 =	sadd.s32 $0x2800, s21;
	[sflag:s26] =	ssyncadd.s32 $0xFFFFEC00  }
0x61: {  	[spmem:s2] =	stream.indirect.scatter.add.f32 [tilespmem:s20], [sflag:$0x9], $0x40, s11, s14, $0xb8;
	[tilespmem:$0x14E60] =	vst v63  }
0x62: {  	_ =	swait.ge [sflag:s28], $0x1400  }
0x63: {  	[sflag:s28] =	ssyncset.done $0x0  }
0x64: {  	s11 =	sadd.s32 $0x2850, s21;
	[sflag:s28] =	ssyncadd.s32 $0xFFFFEC00  }
0x65: {  	[spmem:s2] =	stream.indirect.scatter.add.f32 [tilespmem:s22], [sflag:$0xA], $0x40, s11, s14, $0xb8;
	[tilespmem:$0x14E60] =	vst v63  }
0x66: {  	_ =	swait.ge [sflag:s29], $0x1400  }
0x67: {  	[sflag:s29] =	ssyncset.done $0x0  }
0x68: {  	s11 =	sadd.s32 $0x190, s21;
	[sflag:s29] =	ssyncadd.s32 $0xFFFFEC00  }
0x69: {  	[tilespmem:s15], [sflag:$0x1] =	stream.indirect.gather [hbm4b:s4+s14], $0x40, s11, s14, $0xb8;
	[tilespmem:$0x14E60] =	vst v63  }
0x6a: {  	_ =	swait.ge [sflag:s30], $0x1400  }
0x6b: {  	[sflag:s30] =	ssyncset.done $0x0  }
0x6c: {  	s11 =	sadd.s32 $0x1E0, s21;
	[sflag:s30] =	ssyncadd.s32 $0xFFFFEC00  }
0x6d: {  	[tilespmem:s16], [sflag:$0x2] =	stream.indirect.gather [hbm4b:s4+s14], $0x40, s11, s14, $0xb8;
	[tilespmem:$0x14E60] =	vst v63  }
0x6e: {  	_ =	swait.ge [sflag:s31], $0x1400  }
0x6f: {  	[sflag:s31] =	ssyncset.done $0x0  }
0x70: {  	s11 =	sadd.s32 $0x230, s21;
	[sflag:s31] =	ssyncadd.s32 $0xFFFFEC00  }
0x71: {  	[tilespmem:s18], [sflag:$0x3] =	stream.indirect.gather [hbm4b:s4+s14], $0x40, s11, s14, $0xb8;
	[tilespmem:$0x14E60] =	vst v63  }
0x72: {  	_ =	swait.ge [sflag:s1], $0x1400  }
0x73: {  	[sflag:s1] =	ssyncset.done $0x0  }
.Ltmp0:
0x74: {  	s11 =	sadd.s32 $0x280, s21;
	[sflag:s1] =	ssyncadd.s32 $0xFFFFEC00;
	(pc) =	sbr.rel @p1 .LBB2_2-.Ltmp0, $4  }
0x75: {  	[tilespmem:s20], [sflag:$0x4] =	stream.indirect.gather [hbm4b:s4+s14], $0x40, s11, s14, $0xb8;
	[tilespmem:$0x14E60] =	vst v63  }
0x76: {  	_ =	swait.ge [sflag:s0], $0x1400  }
0x77: {  	[sflag:s0] =	ssyncset.done $0x0  }
0x78: {  	s21 =	sadd.s32 $0x2D0, s21;
	[sflag:s0] =	ssyncadd.s32 $0xFFFFEC00  }
0x79: {  	[tilespmem:s22], [sflag:$0x5] =	stream.indirect.gather [hbm4b:s4+s14], $0x40, s21, s14, $0xb8;
	[tilespmem:$0x14E60] =	vst v63  }
0x7a: {  	_ =	swait.ge [sflag:s23], $0x1400  }
0x7b: {  	[sflag:s23] =	ssyncset.done $0x0  }
0x7c: {  	s11 =	simm.s32 $0x4C90;
	[sflag:s23] =	ssyncadd.s32 $0xFFFFEC00  }
0x7d: {  	[spmem:s2] =	stream.indirect.scatter.add.f32 [tilespmem:s15], [sflag:$0x6], $0x40, s11, s14, $0xb8;
	[tilespmem:$0x14E60] =	vst v63  }
0x7e: {  	_ =	swait.ge [sflag:s24], $0x1400  }
0x7f: {  	[sflag:s24] =	ssyncset.done $0x0  }
0x80: {  	s19 =	simm.s32 $0x4CE0;
	[sflag:s24] =	ssyncadd.s32 $0xFFFFEC00  }
0x81: {  	[spmem:s2] =	stream.indirect.scatter.add.f32 [tilespmem:s16], [sflag:$0x7], $0x40, s19, s14, $0xb8;
	[tilespmem:$0x14E60] =	vst v63  }
0x82: {  	_ =	swait.ge [sflag:s25], $0x1400  }
0x83: {  	[sflag:s25] =	ssyncset.done $0x0  }
0x84: {  	s21 =	simm.s32 $0x4D30;
	[sflag:s25] =	ssyncadd.s32 $0xFFFFEC00  }
0x85: {  	[spmem:s2] =	stream.indirect.scatter.add.f32 [tilespmem:s18], [sflag:$0x8], $0x40, s21, s14, $0xb8;
	[tilespmem:$0x14E60] =	vst v63  }
0x86: {  	_ =	swait.ge [sflag:s26], $0x1400  }
0x87: {  	[sflag:s26] =	ssyncset.done $0x0  }
0x88: {  	s19 =	simm.s32 $0x4D80;
	[sflag:s26] =	ssyncadd.s32 $0xFFFFEC00  }
0x89: {  	[spmem:s2] =	stream.indirect.scatter.add.f32 [tilespmem:s20], [sflag:$0x9], $0x40, s19, s14, $0xb8;
	[tilespmem:$0x14E60] =	vst v63  }
0x8a: {  	_ =	swait.ge [sflag:s28], $0x1400  }
0x8b: {  	[sflag:s28] =	ssyncset.done $0x0  }
0x8c: {  	s21 =	simm.s32 $0x4DD0;
	[sflag:s28] =	ssyncadd.s32 $0xFFFFEC00  }
0x8d: {  	[spmem:s2] =	stream.indirect.scatter.add.f32 [tilespmem:s22], [sflag:$0xA], $0x40, s21, s14, $0xb8;
	[tilespmem:$0x14E60] =	vst v63  }
0x8e: {  	_ =	swait.ge [sflag:s29], $0x1400  }
0x8f: {  	[sflag:s29] =	ssyncset.done $0x0  }
0x90: {  	[sflag:s29] =	ssyncadd.s32 $0xFFFFEC00  }
0x91: {  	_ =	swait.ge [sflag:s30], $0x1400  }
0x92: {  	[sflag:s30] =	ssyncset.done $0x0  }
0x93: {  	[sflag:s30] =	ssyncadd.s32 $0xFFFFEC00  }
0x94: {  	_ =	swait.ge [sflag:s31], $0x1400  }
0x95: {  	[sflag:s31] =	ssyncset.done $0x0  }
0x96: {  	[sflag:s31] =	ssyncadd.s32 $0xFFFFEC00  }
0x97: {  	_ =	swait.ge [sflag:s1], $0x1400  }
0x98: {  	[sflag:s1] =	ssyncset.done $0x0  }
0x99: {  	[sflag:s1] =	ssyncadd.s32 $0xFFFFEC00  }
0x9a: {  	_ =	swait.ge [sflag:s0], $0x1400  }
0x9b: {  	s17 =	sadd.s32 $0x1, s17;
	[sflag:s0] =	ssyncset.done $0x0  }
0x9c: {  	p1 =	sne.s32 s17, s9;
	[sflag:s0] =	ssyncadd.s32 $0xFFFFEC00  }
.Ltmp1:
0x9d: {  	s11 =	simm.s32 @!p0 $0xB;
	[bflag:$0x0] =	sbarrier.arrive $0xFFFF;
	(pc) =	sbr.rel @p1 .LBB2_1-.Ltmp1, $4  }
0x9e: {  	[hbm:s8], [sflag:s12] =	dma.local @!p0 [spmem:s13], $0x1F40  }
0x9f: {  	_ =	swait.ge @!p0 [sflag:s11], $0x1F40  }
0xa0: {  	[sflag:s11] =	ssyncset.done @!p0 $0x0  }
0xa1: {  	[sflag:s11] =	ssyncadd.s32 @!p0 $0xFFFFE0C0  }
0xa2: {  	_ =	sfence.sel $0x180000  }
0xa3: {  	[bflag:$0x0] =	sbarrier.arrive $0xFFFF  }
0xa4: {  	_ =	strace $0x9000004A  }
0xa5: {  	s0 =	stileid.u32;
	[bflag:$0x2] =	sbarrier.arrive $0xFFFF  }
0xa6: {  	p0 =	sne.s32 s0, $0x0;
	s0 =	rddreg [dreg:$0x2]  }
0xa7: {  	s0 =	sadd.s32 @!p0 $0x100000, s0  }
0xa8: {  	[sflag:s0] =	ssyncadd.tile.s32 @!p0 $0x1;
	_ =	shalt  }
.Lfunc_end2:
_tile_overlayer_lowered:
.L_overlay_start_2:
0xa9: {  	(tag) =	ssettag $0x2  }
0xaa: {  	s0 =	rddreg [dreg:$0x0];
	s2 =	stileid.u32  }
0xab: {  	s1 =	rddreg [dreg:$0x1];
	p0 =	sne.s32 s2, $0x0  }
0xac: {  	s3 =	rddreg [dreg:$0x2];
	[bflag:$0x3] =	sbarrier.arrive $0xFFFF;
	s2 =	simm.s32 @!p0 $0x1C0B  }
0xad: {  	[timem:s3], [sflag:s2] =	dma.local @!p0 [hbm:s0], s1  }
0xae: {  	s0 =	simm.s32 @!p0 $0xB  }
0xaf: {  	_ =	swait.ge @!p0 [sflag:s0], s1  }
0xb0: {  	s1 =	ssub.s32 @!p0 $0x0, s1;
	[sflag:s0] =	ssyncset.done @!p0 $0x0  }
0xb1: {  	[sflag:s0] =	ssyncadd.s32 @!p0 s1  }
0xb2: {  	[bflag:$0x3] =	sbarrier.arrive $0xFFFF  }
0xb3: {  	_ =	shalt  }

</sc_bundles>
